<compile_context>
chip_gen: v7x
topology: tpu7x:2x2x1
jax: 0.10.2.dev20260603
libtpu: 0.0.44.dev20260713+nightly
codegen_flags: <defaults>
</compile_context>

<pallas_src>
import functools
import numpy as np
import jax
import jax.numpy as jnp
from jax import lax
from jax.experimental import pallas as pl
from jax.experimental.pallas import tpu as pltpu
from jax.experimental.pallas import tpu_sc as plsc

N = 10000
F = 128
NRBF = 20
CUTOFF = 5.0
NCH = 8
CW = 16
NINE = 9
CROW = 256

NC, NS, NW = 2, 16, 32
EB = 48
NPADN = 10112
ROWS_PER_TILE = NPADN // NS
NODE_PAD = 10240


def _node_mlp(s_pad, W1, b1, W2pp, b2pp):
    nb = s_pad.shape[0] // 256

    def body(s_ref, w1_ref, b1_ref, w2_ref, b2_ref, o_ref):
        h = jax.nn.silu(jnp.dot(s_ref[...], w1_ref[...],
                                preferred_element_type=jnp.float32) + b1_ref[...])
        o_ref[...] = jnp.dot(h, w2_ref[...],
                             preferred_element_type=jnp.float32) + b2_ref[...]

    return pl.pallas_call(
        body,
        grid=(nb,),
        in_specs=[
            pl.BlockSpec((256, F), lambda i: (i, 0)),
            pl.BlockSpec((F, F), lambda i: (0, 0)),
            pl.BlockSpec((1, F), lambda i: (0, 0)),
            pl.BlockSpec((F, NCH * CROW), lambda i: (0, 0)),
            pl.BlockSpec((1, NCH * CROW), lambda i: (0, 0)),
        ],
        out_specs=pl.BlockSpec((256, NCH * CROW), lambda i: (i, 0)),
        out_shape=jax.ShapeDtypeStruct((s_pad.shape[0], NCH * CROW), jnp.float32),
    )(s_pad, W1, b1.reshape(1, F), W2pp, b2pp.reshape(1, NCH * CROW))


def _edge_weights(r_pad, Wdp, bdp):
    epad = r_pad.shape[0]
    nb = epad // 512

    def body(r_ref, wd_ref, bd_ref, w_ref):
        r = r_ref[...]
        d = jnp.sqrt(jnp.sum(r * r + 1e-8, axis=1, keepdims=True))
        u3 = r / d
        u48 = jnp.concatenate(
            [jnp.broadcast_to(u3[:, kk:kk + 1], (512, CW)) for kk in range(3)],
            axis=1)
        nline = (lax.broadcasted_iota(jnp.int32, (512, NRBF), 1) + 1
                 ).astype(jnp.float32)
        rbf = jnp.sin(nline * (np.pi / CUTOFF) * d) / d
        fcut = 0.5 * (jnp.cos(d * (np.pi / CUTOFF)) + 1.0)
        fcut = jnp.where(d < CUTOFF, fcut, 0.0)
        pad = jnp.zeros((512, CROW - NINE * CW - 3 * CW), jnp.float32)
        for c in range(NCH):
            wm = (jnp.dot(rbf, wd_ref[c],
                          preferred_element_type=jnp.float32)
                  + bd_ref[c]) * fcut
            w_ref[c] = jnp.concatenate([wm, u48, pad], axis=1)

    return pl.pallas_call(
        body,
        grid=(nb,),
        in_specs=[
            pl.BlockSpec((512, 3), lambda i: (i, 0)),
            pl.BlockSpec((NCH, NRBF, NINE * CW), lambda i: (0, 0, 0)),
            pl.BlockSpec((NCH, 1, NINE * CW), lambda i: (0, 0, 0)),
        ],
        out_specs=pl.BlockSpec((NCH, 512, CROW), lambda i: (0, i, 0)),
        out_shape=jax.ShapeDtypeStruct((NCH, epad, CROW), jnp.float32),
    )(r_pad, Wdp, bdp)


def _sc_messages(inv_c, w_c, srctab, dstaux, src8, dst8, sscat, zeros):
    epad = w_c.shape[1]
    per_tile = epad // NW
    nblk = per_tile // EB
    mesh = plsc.VectorSubcoreMesh(core_axis_name="c", subcore_axis_name="s")

    @functools.partial(
        pl.kernel,
        mesh=mesh,
        out_type=jax.ShapeDtypeStruct((NC, NCH, NPADN, F), jnp.float32),
        scratch_types=[
            pltpu.VMEM((EB, CROW), jnp.float32),
            pltpu.VMEM((EB, CROW), jnp.float32),
            pltpu.VMEM((EB, F), jnp.float32),
            pltpu.VMEM((EB, F), jnp.float32),
            pltpu.VMEM((EB, F), jnp.float32),
            pltpu.VMEM((EB,), jnp.int32),
            pltpu.VMEM((EB,), jnp.int32),
            pltpu.VMEM((EB,), jnp.int32),
            pltpu.VMEM((EB,), jnp.int32),
            pltpu.VMEM((EB,), jnp.int32),
            pltpu.SemaphoreType.DMA,
            pltpu.VMEM_SHARED((NPADN, F), jnp.float32),
        ],
    )
    def k(inv_h, w_h, st_h, dt_h, s8_h, d8_h, ss_h, z_h,
          out_h, inv_v, w_v, sr_v, dr_v, msg_v, s8_v, d8_v, si_v, di_v, ss_v,
          sem, acc):
        cid = lax.axis_index("c")
        sid = lax.axis_index("s")
        wid = cid * NS + sid
        e_base = wid * per_tile
        r0 = sid * ROWS_PER_TILE

        def chunk_body(c, carry):
            pltpu.sync_copy(z_h.at[pl.ds(r0, ROWS_PER_TILE)],
                            acc.at[pl.ds(r0, ROWS_PER_TILE)])
            plsc.subcore_barrier()

            def block_body(b, bcarry):
                e0 = e_base + b * EB
                cps = [pltpu.async_copy(s8_h.at[pl.ds(e0, EB)], s8_v, sem),
                       pltpu.async_copy(d8_h.at[pl.ds(e0, EB)], d8_v, sem),
                       pltpu.async_copy(ss_h.at[pl.ds(e0, EB)], ss_v, sem),
                       pltpu.async_copy(w_h.at[c, pl.ds(e0, EB)], w_v, sem)]
                for cp in cps[:3]:
                    cp.wait()
                for j in range(EB // 16):
                    sl = pl.ds(j * 16, 16)
                    si_v[sl] = s8_v[sl] + c
                    di_v[sl] = d8_v[sl] + c
                gps = [pltpu.async_copy(inv_h.at[di_v], inv_v, sem),
                       pltpu.async_copy(st_h.at[si_v], sr_v, sem),
                       pltpu.async_copy(dt_h.at[di_v], dr_v, sem)]
                cps[3].wait()
                for gp in gps:
                    gp.wait()

                def edge_body(e, ecarry):
                    s = [inv_v[e, pl.ds(j * CW, CW)] * w_v[e, pl.ds(j * CW, CW)]
                         for j in range(NINE)]
                    sj = sr_v[e, pl.ds(0, CW)]
                    sb = sr_v[e, pl.ds(CW, CW)]
                    vjs = [sr_v[e, pl.ds(2 * CW + kk * CW, CW)] for kk in range(3)]
                    vbs = [sr_v[e, pl.ds(5 * CW + kk * CW, CW)] for kk in range(3)]
                    vjd = [dr_v[e, pl.ds(kk * CW, CW)] for kk in range(3)]
                    vbd = [dr_v[e, pl.ds(3 * CW + kk * CW, CW)] for kk in range(3)]
                    msg_v[e, pl.ds(0, CW)] = s[0] * sj
                    msg_v[e, pl.ds(CW, CW)] = (vjs[0] * vbd[0]
                                               + vjs[1] * vbd[1]
                                               + vjs[2] * vbd[2])
                    for kk in range(3):
                        k1 = (kk + 1) % 3
                        k2 = (kk + 2) % 3
                        uk = w_v[e, pl.ds(NINE * CW + kk * CW, CW)]
                        cr_a = vjs[k1] * vbd[k2] - vjs[k2] * vbd[k1]
                        cr_b = vjs[k1] * vjd[k2] - vjs[k2] * vjd[k1]
                        cr_c = vbs[k1] * vbd[k2] - vbs[k2] * vbd[k1]
                        msg_v[e, pl.ds(2 * CW + kk * CW, CW)] = (
                            s[1] * uk + s[2] * vjd[kk] + s[3] * cr_a
                            + s[4] * sb * vbd[kk])
                        msg_v[e, pl.ds(5 * CW + kk * CW, CW)] = (
                            s[5] * vbd[kk] + s[6] * sb * vjd[kk]
                            + s[7] * cr_b + s[8] * cr_c)
                    return ecarry

                lax.fori_loop(0, EB, edge_body, 0)
                pltpu.sync_copy(msg_v, acc.at[ss_v], add=True)
                return bcarry

            lax.fori_loop(0, nblk, block_body, 0)
            plsc.subcore_barrier()
            pltpu.sync_copy(acc.at[pl.ds(r0, ROWS_PER_TILE)],
                            out_h.at[cid, c, pl.ds(r0, ROWS_PER_TILE)])
            plsc.subcore_barrier()
            return carry

        lax.fori_loop(0, NCH, chunk_body, 0)

    return k(inv_c, w_c, srctab, dstaux, src8, dst8, sscat, zeros)


def kernel(s_j, sbar_j, v_j, vbar_j, r_ij, nbrs, W1, b1, W2, b2, Wd, bd):
    E = r_ij.shape[0]
    step = NW * EB * 512 // np.gcd(NW * EB, 512)
    epad = ((E + step - 1) // step) * step

    W2p = W2.reshape(F, NINE, NCH, CW).transpose(0, 2, 1, 3)
    W2pp = jnp.pad(W2p.reshape(F, NCH, NINE * CW),
                   ((0, 0), (0, 0), (0, CROW - NINE * CW))).reshape(F, NCH * CROW)
    b2p = b2.reshape(NINE, NCH, CW).transpose(1, 0, 2)
    b2pp = jnp.pad(b2p.reshape(NCH, NINE * CW),
                   ((0, 0), (0, CROW - NINE * CW))).reshape(NCH * CROW)
    Wdp = Wd.reshape(NRBF, NINE, NCH, CW).transpose(2, 0, 1, 3).reshape(
        NCH, NRBF, NINE * CW)
    bdp = bd.reshape(NINE, NCH, CW).transpose(1, 0, 2).reshape(
        NCH, 1, NINE * CW)

    s_pad = jnp.pad(s_j, ((0, NODE_PAD - N), (0, 0)))
    inv = _node_mlp(s_pad, W1, b1, W2pp, b2pp)
    inv_c = inv.reshape(NODE_PAD * NCH, CROW)

    r_pad = jnp.pad(r_ij, ((0, epad - E), (0, 0)))
    w_c = _edge_weights(r_pad, Wdp, bdp)

    vj_c = v_j.reshape(N, NCH, CW, 3).transpose(0, 1, 3, 2).reshape(N * NCH, 3 * CW)
    vb_c = vbar_j.reshape(N, NCH, CW, 3).transpose(0, 1, 3, 2).reshape(N * NCH, 3 * CW)
    srctab = jnp.concatenate(
        [s_j.reshape(N * NCH, CW), sbar_j.reshape(N * NCH, CW), vj_c, vb_c],
        axis=1)
    dstaux = jnp.concatenate(
        [vj_c, vb_c, jnp.zeros((N * NCH, F - 6 * CW), jnp.float32)],
        axis=1)

    src = nbrs[:, 0].astype(jnp.int32)
    dst = nbrs[:, 1].astype(jnp.int32)
    src8 = jnp.pad(src * NCH, (0, epad + EB - E))
    dst8 = jnp.pad(dst * NCH, (0, epad + EB - E))
    sscat = jnp.pad(src, (0, epad + EB - E), constant_values=N)
    zeros = jnp.zeros((NPADN, F), jnp.float32)

    out = _sc_messages(inv_c, w_c, srctab, dstaux,
                       src8, dst8, sscat, zeros)

    o = (out[0] + out[1])[:, :N, :]
    dh = o[:, :, 0:CW].transpose(1, 0, 2).reshape(N, F)
    dhbar = o[:, :, CW:2 * CW].transpose(1, 0, 2).reshape(N, F)
    dv = (o[:, :, 2 * CW:5 * CW].reshape(NCH, N, 3, CW)
          .transpose(1, 0, 3, 2).reshape(N, F, 3))
    dvbar = (o[:, :, 5 * CW:8 * CW].reshape(NCH, N, 3, CW)
             .transpose(1, 0, 3, 2).reshape(N, F, 3))
    return (dh, dhbar, dv, dvbar)

# --- scband reference (transcript-rebuilt; emitter-appended) ---
"""Pipeline reference for scband-equi-message-psuedo-34376918237208 (READ-ONLY COPY).

The authoritative reference and input builder live on the scoring server;
editing this copy changes nothing except your own understanding.
"""

import jax, jax.numpy as jnp
import numpy as np

N = 10000
E = 160000
F = 128
NRBF = 20
CUTOFF = 5.0


def setup_inputs(seed: int = 0) -> dict:
    key = jax.random.key(seed)
    ks = jax.random.split(key, 12)
    s_j = jax.random.normal(ks[0], (N, F), dtype=jnp.float32)
    sbar_j = jax.random.normal(ks[1], (N, F), dtype=jnp.float32)
    v_j = jax.random.normal(ks[2], (N, F, 3), dtype=jnp.float32)
    vbar_j = jax.random.normal(ks[3], (N, F, 3), dtype=jnp.float32)
    r_ij = jax.random.normal(ks[4], (E, 3), dtype=jnp.float32)
    nbrs = jax.random.randint(ks[5], (E, 2), 0, N, dtype=jnp.int32)
    # learned params (eval mode: dropout is identity)
    W1 = jax.random.normal(ks[6], (F, F), dtype=jnp.float32) / np.sqrt(F)
    b1 = jnp.zeros((F,), dtype=jnp.float32)
    W2 = jax.random.normal(ks[7], (F, 9 * F), dtype=jnp.float32) / np.sqrt(F)
    b2 = jnp.zeros((9 * F,), dtype=jnp.float32)
    Wd = jax.random.normal(ks[8], (NRBF, 9 * F), dtype=jnp.float32) / np.sqrt(NRBF)
    bd = jnp.zeros((9 * F,), dtype=jnp.float32)
    return {"s_j": s_j, "sbar_j": sbar_j, "v_j": v_j, "vbar_j": vbar_j,
            "r_ij": r_ij, "nbrs": nbrs, "W1": W1, "b1": b1, "W2": W2,
            "b2": b2, "Wd": Wd, "bd": bd}


def reference(s_j, sbar_j, v_j, vbar_j, r_ij, nbrs, W1, b1, W2, b2, Wd, bd):
    # preprocess_r
    dist = jnp.sqrt(jnp.sum(r_ij ** 2 + 1e-08, axis=-1))
    unit = r_ij / dist[:, None]
    src = nbrs[:, 0]
    dst = nbrs[:, 1]
    # InvariantMessage: inv_dense (Dense->silu->Dense), gathered at dst
    h = jax.nn.silu(s_j @ W1 + b1)
    inv = h @ W2 + b2
    phi = inv[dst]
    # DistanceEmbed: sinc RBF basis + Dense + cosine cutoff envelope (PaiNN-style)
    n = jnp.arange(1, NRBF + 1, dtype=jnp.float32)
    rbf = jnp.sin(n[None, :] * jnp.pi * dist[:, None] / CUTOFF) / dist[:, None]
    fcut = 0.5 * (jnp.cos(jnp.pi * dist / CUTOFF) + 1.0) * (dist < CUTOFF).astype(jnp.float32)
    w_s = (rbf @ Wd + bd) * fcut[:, None]
    inv_out = (phi * w_s).reshape(E, 9, F)
    s0 = inv_out[:, 0, :]
    s1 = inv_out[:, 1, :][..., None]
    s2 = inv_out[:, 2, :][..., None]
    s3 = inv_out[:, 3, :][..., None]
    s4 = inv_out[:, 4, :][..., None]
    s5 = inv_out[:, 5, :][..., None]
    s6 = inv_out[:, 6, :][..., None]
    s7 = inv_out[:, 7, :][..., None]
    s8 = inv_out[:, 8, :][..., None]
    d_s_ij = s0 * s_j[src]
    d_sbar_ij = jnp.sum(v_j[src] * vbar_j[dst], axis=-1)
    d_v_ij = (s1 * unit[:, None, :]
              + s2 * v_j[dst]
              + s3 * jnp.cross(v_j[src], vbar_j[dst], axis=-1)
              + s4 * sbar_j[src][..., None] * vbar_j[dst])
    d_vbar_ij = (s5 * vbar_j[dst]
                 + s6 * sbar_j[src][..., None] * v_j[dst]
                 + s7 * jnp.cross(v_j[src], v_j[dst], axis=-1)
                 + s8 * jnp.cross(vbar_j[src], vbar_j[dst], axis=-1))
    dv = jax.ops.segment_sum(d_v_ij, src, num_segments=N)
    dvbar = jax.ops.segment_sum(d_vbar_ij, src, num_segments=N)
    dh = jax.ops.segment_sum(d_s_ij, src, num_segments=N)
    dhbar = jax.ops.segment_sum(d_sbar_ij, src, num_segments=N)
    return (dh, dhbar, dv, dvbar)

if __name__ == "__main__":
    import jax
    _d = setup_inputs()
    print(jax.jit(kernel)(*tuple(_d.values())))

</pallas_src>

<mosaic_0001>
#map = affine_map<(d0, d1) -> (0, 0)>
#map1 = affine_map<(d0, d1) -> (0, 0, 0)>
#map2 = affine_map<(d0, d1) -> (0)>
#map3 = affine_map<(d0, d1) -> (0, 0, 0, 0)>
module attributes {stable_mosaic.version = 14 : i64} {
  func.func @k(%arg0: i32, %arg1: i32, %arg2: memref<81920x256xf32, #tpu.memory_space<hbm>>, %arg3: memref<8x161280x256xf32, #tpu.memory_space<hbm>>, %arg4: memref<80000x128xf32, #tpu.memory_space<hbm>>, %arg5: memref<80000x128xf32, #tpu.memory_space<hbm>>, %arg6: memref<161328xi32, #tpu.memory_space<hbm>>, %arg7: memref<161328xi32, #tpu.memory_space<hbm>>, %arg8: memref<161328xi32, #tpu.memory_space<hbm>>, %arg9: memref<10112x128xf32, #tpu.memory_space<hbm>>, %arg10: memref<2x8x10112x128xf32, #tpu.memory_space<hbm>>, %arg11: memref<48x256xf32, #tpu.memory_space<vmem>>, %arg12: memref<48x256xf32, #tpu.memory_space<vmem>>, %arg13: memref<48x128xf32, #tpu.memory_space<vmem>>, %arg14: memref<48x128xf32, #tpu.memory_space<vmem>>, %arg15: memref<48x128xf32, #tpu.memory_space<vmem>>, %arg16: memref<48xi32, #tpu.memory_space<vmem>>, %arg17: memref<48xi32, #tpu.memory_space<vmem>>, %arg18: memref<48xi32, #tpu.memory_space<vmem>>, %arg19: memref<48xi32, #tpu.memory_space<vmem>>, %arg20: memref<48xi32, #tpu.memory_space<vmem>>, %arg21: memref<!tpu.dma_semaphore, #tpu.memory_space<semaphore_mem>>, %arg22: memref<10112x128xf32, #tpu.memory_space<vmem_shared>>) attributes {dimension_semantics = [#tpu.dimension_semantics<core_parallel>, #tpu.dimension_semantics<subcore_parallel>], iteration_bounds = array<i64: 2, 16>, scalar_prefetch = 0 : i64, scratch_operands = 12 : i64, tpu.core_type = #tpu.core_type<sc_vector_subcore>, window_params = [{transform_indices = #map}, {transform_indices = #map1}, {transform_indices = #map}, {transform_indices = #map}, {transform_indices = #map2}, {transform_indices = #map2}, {transform_indices = #map2}, {transform_indices = #map}, {transform_indices = #map3}]} {
    %mul3A = arith.constant 16 : i32
    %mul3A_0 = arith.muli %arg0, %mul3A : i32
    %add3A = arith.addi %mul3A_0, %arg1 : i32
    %mul3A_1 = arith.constant 5040 : i32
    %mul3A_2 = arith.muli %add3A, %mul3A_1 : i32
    %mul3A_3 = arith.constant 632 : i32
    %mul3A_4 = arith.muli %arg1, %mul3A_3 : i32
    %scan3A = arith.constant 0 : i32
    %scan3A_5 = arith.constant 0 : i32
    %scan3A_6 = arith.constant 8 : i32
    %scan3A_7 = arith.addi %scan3A_5, %scan3A_6 : i32
    %scan3A_8 = arith.constant 1 : i32
    scf.for %scan3A_10 = %scan3A_5 to %scan3A_7 step %scan3A_8  : i32 {
      "tpu.region"() ({
        %run_scoped3A = tpu.sem_alloc : memref<!tpu.dma_semaphore, #tpu.memory_space<semaphore_mem>>
        %dma_start3A = arith.constant 0 : i32
        %dma_start3A_19 = tpu.memref_slice %arg22[%mul3A_4, %dma_start3A] : memref<10112x128xf32, #tpu.memory_space<vmem_shared>> -> memref<632x128xf32, #tpu.memory_space<vmem_shared>>
        %dma_start3A_20 = arith.constant 0 : i32
        %dma_start3A_21 = tpu.memref_slice %arg9[%mul3A_4, %dma_start3A_20] : memref<10112x128xf32, #tpu.memory_space<hbm>> -> memref<632x128xf32, #tpu.memory_space<hbm>>
        tpu.enqueue_dma source(%dma_start3A_21 : memref<632x128xf32, #tpu.memory_space<hbm>>) target(%dma_start3A_19 : memref<632x128xf32, #tpu.memory_space<vmem_shared>>) target_semaphore(%run_scoped3A : memref<!tpu.dma_semaphore, #tpu.memory_space<semaphore_mem>>)
        %dma_wait3A = arith.constant 0 : i32
        %dma_wait3A_22 = tpu.memref_slice %arg22[%mul3A_4, %dma_wait3A] : memref<10112x128xf32, #tpu.memory_space<vmem_shared>> -> memref<632x128xf32, #tpu.memory_space<vmem_shared>>
        %dma_wait3A_23 = arith.constant 0 : i32
        %dma_wait3A_24 = tpu.memref_slice %arg9[%mul3A_4, %dma_wait3A_23] : memref<10112x128xf32, #tpu.memory_space<hbm>> -> memref<632x128xf32, #tpu.memory_space<hbm>>
        tpu.wait_dma2 semaphore(%run_scoped3A : memref<!tpu.dma_semaphore, #tpu.memory_space<semaphore_mem>>) src(%dma_wait3A_24 : memref<632x128xf32, #tpu.memory_space<hbm>>) dst(%dma_wait3A_22 : memref<632x128xf32, #tpu.memory_space<vmem_shared>>)
        tpu.yield
      }) : () -> ()
      %barrier3A = arith.constant 0 : index
      tpu.barrier barrier_id(%barrier3A)
      %scan3A_11 = arith.constant 0 : i32
      %scan3A_12 = arith.constant 0 : i32
      %scan3A_13 = arith.constant 105 : i32
      %scan3A_14 = arith.addi %scan3A_12, %scan3A_13 : i32
      %scan3A_15 = arith.constant 1 : i32
      scf.for %scan3A_19 = %scan3A_12 to %scan3A_14 step %scan3A_15  : i32 {
        %mul3A_20 = arith.constant 48 : i32
        %mul3A_21 = arith.muli %scan3A_19, %mul3A_20 : i32
        %add3A_22 = arith.addi %mul3A_2, %mul3A_21 : i32
        %dma_start3A = tpu.memref_slice %arg6[%add3A_22] : memref<161328xi32, #tpu.memory_space<hbm>> -> memref<48xi32, #tpu.memory_space<hbm>>
        %dma_start3A_23 = tpu.memref_slice %arg6[%add3A_22] : memref<161328xi32, #tpu.memory_space<hbm>> -> memref<48xi32, #tpu.memory_space<hbm>>
        tpu.enqueue_dma source(%dma_start3A_23 : memref<48xi32, #tpu.memory_space<hbm>>) target(%arg16 : memref<48xi32, #tpu.memory_space<vmem>>) target_semaphore(%arg21 : memref<!tpu.dma_semaphore, #tpu.memory_space<semaphore_mem>>)
        %dma_start3A_24 = tpu.memref_slice %arg7[%add3A_22] : memref<161328xi32, #tpu.memory_space<hbm>> -> memref<48xi32, #tpu.memory_space<hbm>>
        %dma_start3A_25 = tpu.memref_slice %arg7[%add3A_22] : memref<161328xi32, #tpu.memory_space<hbm>> -> memref<48xi32, #tpu.memory_space<hbm>>
        tpu.enqueue_dma source(%dma_start3A_25 : memref<48xi32, #tpu.memory_space<hbm>>) target(%arg17 : memref<48xi32, #tpu.memory_space<vmem>>) target_semaphore(%arg21 : memref<!tpu.dma_semaphore, #tpu.memory_space<semaphore_mem>>)
        %dma_start3A_26 = tpu.memref_slice %arg8[%add3A_22] : memref<161328xi32, #tpu.memory_space<hbm>> -> memref<48xi32, #tpu.memory_space<hbm>>
        %dma_start3A_27 = tpu.memref_slice %arg8[%add3A_22] : memref<161328xi32, #tpu.memory_space<hbm>> -> memref<48xi32, #tpu.memory_space<hbm>>
        tpu.enqueue_dma source(%dma_start3A_27 : memref<48xi32, #tpu.memory_space<hbm>>) target(%arg20 : memref<48xi32, #tpu.memory_space<vmem>>) target_semaphore(%arg21 : memref<!tpu.dma_semaphore, #tpu.memory_space<semaphore_mem>>)
        %dma_start3A_28 = arith.constant 0 : i32
        %dma_start3A_29 = tpu.memref_slice %arg3[%scan3A_10, %add3A_22, %dma_start3A_28] : memref<8x161280x256xf32, #tpu.memory_space<hbm>> -> memref<1x48x256xf32, #tpu.memory_space<hbm>>
        %dma_start3A_30 = tpu.memref_squeeze %dma_start3A_29 : memref<1x48x256xf32, #tpu.memory_space<hbm>> -> memref<48x256xf32, #tpu.memory_space<hbm>>
        %dma_start3A_31 = arith.constant 0 : i32
        %dma_start3A_32 = tpu.memref_slice %arg3[%scan3A_10, %add3A_22, %dma_start3A_31] : memref<8x161280x256xf32, #tpu.memory_space<hbm>> -> memref<1x48x256xf32, #tpu.memory_space<hbm>>
        %dma_start3A_33 = tpu.memref_squeeze %dma_start3A_32 : memref<1x48x256xf32, #tpu.memory_space<hbm>> -> memref<48x256xf32, #tpu.memory_space<hbm>>
        tpu.enqueue_dma source(%dma_start3A_33 : memref<48x256xf32, #tpu.memory_space<hbm>>) target(%arg12 : memref<48x256xf32, #tpu.memory_space<vmem>>) target_semaphore(%arg21 : memref<!tpu.dma_semaphore, #tpu.memory_space<semaphore_mem>>)
        %dma_wait3A = tpu.memref_slice %arg6[%add3A_22] : memref<161328xi32, #tpu.memory_space<hbm>> -> memref<48xi32, #tpu.memory_space<hbm>>
        %dma_wait3A_34 = tpu.memref_slice %arg6[%add3A_22] : memref<161328xi32, #tpu.memory_space<hbm>> -> memref<48xi32, #tpu.memory_space<hbm>>
        tpu.wait_dma2 semaphore(%arg21 : memref<!tpu.dma_semaphore, #tpu.memory_space<semaphore_mem>>) src(%dma_wait3A_34 : memref<48xi32, #tpu.memory_space<hbm>>) dst(%arg16 : memref<48xi32, #tpu.memory_space<vmem>>)
        %dma_wait3A_35 = tpu.memref_slice %arg7[%add3A_22] : memref<161328xi32, #tpu.memory_space<hbm>> -> memref<48xi32, #tpu.memory_space<hbm>>
        %dma_wait3A_36 = tpu.memref_slice %arg7[%add3A_22] : memref<161328xi32, #tpu.memory_space<hbm>> -> memref<48xi32, #tpu.memory_space<hbm>>
        tpu.wait_dma2 semaphore(%arg21 : memref<!tpu.dma_semaphore, #tpu.memory_space<semaphore_mem>>) src(%dma_wait3A_36 : memref<48xi32, #tpu.memory_space<hbm>>) dst(%arg17 : memref<48xi32, #tpu.memory_space<vmem>>)
        %dma_wait3A_37 = tpu.memref_slice %arg8[%add3A_22] : memref<161328xi32, #tpu.memory_space<hbm>> -> memref<48xi32, #tpu.memory_space<hbm>>
        %dma_wait3A_38 = tpu.memref_slice %arg8[%add3A_22] : memref<161328xi32, #tpu.memory_space<hbm>> -> memref<48xi32, #tpu.memory_space<hbm>>
        tpu.wait_dma2 semaphore(%arg21 : memref<!tpu.dma_semaphore, #tpu.memory_space<semaphore_mem>>) src(%dma_wait3A_38 : memref<48xi32, #tpu.memory_space<hbm>>) dst(%arg20 : memref<48xi32, #tpu.memory_space<vmem>>)
        %get3A = arith.constant 0 : index
        %get3A_39 = tpu.vector_load %arg16[%get3A] {strides = array<i32>} : memref<48xi32, #tpu.memory_space<vmem>>, vector<16xi32>,
        %get3A_40 = vector.shape_cast %get3A_39 : vector<16xi32> to vector<16xi32>
        %add3A_41 = vector.broadcast %scan3A_10 : i32 to vector<16xi32>
        %add3A_42 = arith.addi %get3A_40, %add3A_41 : vector<16xi32>
        %swap3A = arith.constant 0 : index
        %swap3A_43 = tpu.vector_load %arg18[%swap3A] {strides = array<i32>} : memref<48xi32, #tpu.memory_space<vmem>>, vector<16xi32>,
        %swap3A_44 = vector.shape_cast %swap3A_43 : vector<16xi32> to vector<16xi32>
        %swap3A_45 = vector.shape_cast %add3A_42 : vector<16xi32> to vector<16xi32>
        tpu.vector_store %arg18[%swap3A], %swap3A_45 {strides = array<i32>} : memref<48xi32, #tpu.memory_space<vmem>>, vector<16xi32>,
        %get3A_46 = arith.constant 0 : index
        %get3A_47 = tpu.vector_load %arg17[%get3A_46] {strides = array<i32>} : memref<48xi32, #tpu.memory_space<vmem>>, vector<16xi32>,
        %get3A_48 = vector.shape_cast %get3A_47 : vector<16xi32> to vector<16xi32>
        %add3A_49 = vector.broadcast %scan3A_10 : i32 to vector<16xi32>
        %add3A_50 = arith.addi %get3A_48, %add3A_49 : vector<16xi32>
        %swap3A_51 = arith.constant 0 : index
        %swap3A_52 = tpu.vector_load %arg19[%swap3A_51] {strides = array<i32>} : memref<48xi32, #tpu.memory_space<vmem>>, vector<16xi32>,
        %swap3A_53 = vector.shape_cast %swap3A_52 : vector<16xi32> to vector<16xi32>
        %swap3A_54 = vector.shape_cast %add3A_50 : vector<16xi32> to vector<16xi32>
        tpu.vector_store %arg19[%swap3A_51], %swap3A_54 {strides = array<i32>} : memref<48xi32, #tpu.memory_space<vmem>>, vector<16xi32>,
        %get3A_55 = arith.constant 16 : index
        %get3A_56 = tpu.vector_load %arg16[%get3A_55] {strides = array<i32>} : memref<48xi32, #tpu.memory_space<vmem>>, vector<16xi32>,
        %get3A_57 = vector.shape_cast %get3A_56 : vector<16xi32> to vector<16xi32>
        %add3A_58 = vector.broadcast %scan3A_10 : i32 to vector<16xi32>
        %add3A_59 = arith.addi %get3A_57, %add3A_58 : vector<16xi32>
        %swap3A_60 = arith.constant 16 : index
        %swap3A_61 = tpu.vector_load %arg18[%swap3A_60] {strides = array<i32>} : memref<48xi32, #tpu.memory_space<vmem>>, vector<16xi32>,
        %swap3A_62 = vector.shape_cast %swap3A_61 : vector<16xi32> to vector<16xi32>
        %swap3A_63 = vector.shape_cast %add3A_59 : vector<16xi32> to vector<16xi32>
        tpu.vector_store %arg18[%swap3A_60], %swap3A_63 {strides = array<i32>} : memref<48xi32, #tpu.memory_space<vmem>>, vector<16xi32>,
        %get3A_64 = arith.constant 16 : index
        %get3A_65 = tpu.vector_load %arg17[%get3A_64] {strides = array<i32>} : memref<48xi32, #tpu.memory_space<vmem>>, vector<16xi32>,
        %get3A_66 = vector.shape_cast %get3A_65 : vector<16xi32> to vector<16xi32>
        %add3A_67 = vector.broadcast %scan3A_10 : i32 to vector<16xi32>
        %add3A_68 = arith.addi %get3A_66, %add3A_67 : vector<16xi32>
        %swap3A_69 = arith.constant 16 : index
        %swap3A_70 = tpu.vector_load %arg19[%swap3A_69] {strides = array<i32>} : memref<48xi32, #tpu.memory_space<vmem>>, vector<16xi32>,
        %swap3A_71 = vector.shape_cast %swap3A_70 : vector<16xi32> to vector<16xi32>
        %swap3A_72 = vector.shape_cast %add3A_68 : vector<16xi32> to vector<16xi32>
        tpu.vector_store %arg19[%swap3A_69], %swap3A_72 {strides = array<i32>} : memref<48xi32, #tpu.memory_space<vmem>>, vector<16xi32>,
        %get3A_73 = arith.constant 32 : index
        %get3A_74 = tpu.vector_load %arg16[%get3A_73] {strides = array<i32>} : memref<48xi32, #tpu.memory_space<vmem>>, vector<16xi32>,
        %get3A_75 = vector.shape_cast %get3A_74 : vector<16xi32> to vector<16xi32>
        %add3A_76 = vector.broadcast %scan3A_10 : i32 to vector<16xi32>
        %add3A_77 = arith.addi %get3A_75, %add3A_76 : vector<16xi32>
        %swap3A_78 = arith.constant 32 : index
        %swap3A_79 = tpu.vector_load %arg18[%swap3A_78] {strides = array<i32>} : memref<48xi32, #tpu.memory_space<vmem>>, vector<16xi32>,
        %swap3A_80 = vector.shape_cast %swap3A_79 : vector<16xi32> to vector<16xi32>
        %swap3A_81 = vector.shape_cast %add3A_77 : vector<16xi32> to vector<16xi32>
        tpu.vector_store %arg18[%swap3A_78], %swap3A_81 {strides = array<i32>} : memref<48xi32, #tpu.memory_space<vmem>>, vector<16xi32>,
        %get3A_82 = arith.constant 32 : index
        %get3A_83 = tpu.vector_load %arg17[%get3A_82] {strides = array<i32>} : memref<48xi32, #tpu.memory_space<vmem>>, vector<16xi32>,
        %get3A_84 = vector.shape_cast %get3A_83 : vector<16xi32> to vector<16xi32>
        %add3A_85 = vector.broadcast %scan3A_10 : i32 to vector<16xi32>
        %add3A_86 = arith.addi %get3A_84, %add3A_85 : vector<16xi32>
        %swap3A_87 = arith.constant 32 : index
        %swap3A_88 = tpu.vector_load %arg19[%swap3A_87] {strides = array<i32>} : memref<48xi32, #tpu.memory_space<vmem>>, vector<16xi32>,
        %swap3A_89 = vector.shape_cast %swap3A_88 : vector<16xi32> to vector<16xi32>
        %swap3A_90 = vector.shape_cast %add3A_86 : vector<16xi32> to vector<16xi32>
        tpu.vector_store %arg19[%swap3A_87], %swap3A_90 {strides = array<i32>} : memref<48xi32, #tpu.memory_space<vmem>>, vector<16xi32>,
        %dma_start3A_91 = arith.constant 0 : i32
        %dma_start3A_92 = arith.constant 0 : i32
        %dma_start3A_93 = tpu.memref_slice %arg2[%dma_start3A_91, %dma_start3A_92] : memref<81920x256xf32, #tpu.memory_space<hbm>> -> memref<81920x256xf32, #tpu.memory_space<hbm>>
        tpu.enqueue_indirect_dma source(%dma_start3A_93 : memref<81920x256xf32, #tpu.memory_space<hbm>>) target(%arg11 : memref<48x256xf32, #tpu.memory_space<vmem>>) offsets(%arg19 : memref<48xi32, #tpu.memory_space<vmem>>) semaphore(%arg21 : memref<!tpu.dma_semaphore, #tpu.memory_space<semaphore_mem>>)
        %dma_start3A_94 = arith.constant 0 : i32
        %dma_start3A_95 = arith.constant 0 : i32
        %dma_start3A_96 = tpu.memref_slice %arg4[%dma_start3A_94, %dma_start3A_95] : memref<80000x128xf32, #tpu.memory_space<hbm>> -> memref<80000x128xf32, #tpu.memory_space<hbm>>
        tpu.enqueue_indirect_dma source(%dma_start3A_96 : memref<80000x128xf32, #tpu.memory_space<hbm>>) target(%arg13 : memref<48x128xf32, #tpu.memory_space<vmem>>) offsets(%arg18 : memref<48xi32, #tpu.memory_space<vmem>>) semaphore(%arg21 : memref<!tpu.dma_semaphore, #tpu.memory_space<semaphore_mem>>)
        %dma_start3A_97 = arith.constant 0 : i32
        %dma_start3A_98 = arith.constant 0 : i32
        %dma_start3A_99 = tpu.memref_slice %arg5[%dma_start3A_97, %dma_start3A_98] : memref<80000x128xf32, #tpu.memory_space<hbm>> -> memref<80000x128xf32, #tpu.memory_space<hbm>>
        tpu.enqueue_indirect_dma source(%dma_start3A_99 : memref<80000x128xf32, #tpu.memory_space<hbm>>) target(%arg14 : memref<48x128xf32, #tpu.memory_space<vmem>>) offsets(%arg19 : memref<48xi32, #tpu.memory_space<vmem>>) semaphore(%arg21 : memref<!tpu.dma_semaphore, #tpu.memory_space<semaphore_mem>>)
        %dma_wait3A_100 = arith.constant 0 : i32
        %dma_wait3A_101 = tpu.memref_slice %arg3[%scan3A_10, %add3A_22, %dma_wait3A_100] : memref<8x161280x256xf32, #tpu.memory_space<hbm>> -> memref<1x48x256xf32, #tpu.memory_space<hbm>>
        %dma_wait3A_102 = tpu.memref_squeeze %dma_wait3A_101 : memref<1x48x256xf32, #tpu.memory_space<hbm>> -> memref<48x256xf32, #tpu.memory_space<hbm>>
        %dma_wait3A_103 = arith.constant 0 : i32
        %dma_wait3A_104 = tpu.memref_slice %arg3[%scan3A_10, %add3A_22, %dma_wait3A_103] : memref<8x161280x256xf32, #tpu.memory_space<hbm>> -> memref<1x48x256xf32, #tpu.memory_space<hbm>>
        %dma_wait3A_105 = tpu.memref_squeeze %dma_wait3A_104 : memref<1x48x256xf32, #tpu.memory_space<hbm>> -> memref<48x256xf32, #tpu.memory_space<hbm>>
        tpu.wait_dma2 semaphore(%arg21 : memref<!tpu.dma_semaphore, #tpu.memory_space<semaphore_mem>>) src(%dma_wait3A_105 : memref<48x256xf32, #tpu.memory_space<hbm>>) dst(%arg12 : memref<48x256xf32, #tpu.memory_space<vmem>>)
        %dma_wait3A_106 = arith.constant 0 : i32
        %dma_wait3A_107 = arith.constant 0 : i32
        %dma_wait3A_108 = tpu.memref_slice %arg2[%dma_wait3A_106, %dma_wait3A_107] : memref<81920x256xf32, #tpu.memory_space<hbm>> -> memref<81920x256xf32, #tpu.memory_space<hbm>>
        tpu.wait_indirect_dma semaphore(%arg21 : memref<!tpu.dma_semaphore, #tpu.memory_space<semaphore_mem>>) src(%dma_wait3A_108 : memref<81920x256xf32, #tpu.memory_space<hbm>>) dst(%arg11 : memref<48x256xf32, #tpu.memory_space<vmem>>)
        %dma_wait3A_109 = arith.constant 0 : i32
        %dma_wait3A_110 = arith.constant 0 : i32
        %dma_wait3A_111 = tpu.memref_slice %arg4[%dma_wait3A_109, %dma_wait3A_110] : memref<80000x128xf32, #tpu.memory_space<hbm>> -> memref<80000x128xf32, #tpu.memory_space<hbm>>
        tpu.wait_indirect_dma semaphore(%arg21 : memref<!tpu.dma_semaphore, #tpu.memory_space<semaphore_mem>>) src(%dma_wait3A_111 : memref<80000x128xf32, #tpu.memory_space<hbm>>) dst(%arg13 : memref<48x128xf32, #tpu.memory_space<vmem>>)
        %dma_wait3A_112 = arith.constant 0 : i32
        %dma_wait3A_113 = arith.constant 0 : i32
        %dma_wait3A_114 = tpu.memref_slice %arg5[%dma_wait3A_112, %dma_wait3A_113] : memref<80000x128xf32, #tpu.memory_space<hbm>> -> memref<80000x128xf32, #tpu.memory_space<hbm>>
        tpu.wait_indirect_dma semaphore(%arg21 : memref<!tpu.dma_semaphore, #tpu.memory_space<semaphore_mem>>) src(%dma_wait3A_114 : memref<80000x128xf32, #tpu.memory_space<hbm>>) dst(%arg14 : memref<48x128xf32, #tpu.memory_space<vmem>>)
        %scan3A_115 = arith.constant 0 : i32
        %scan3A_116 = arith.constant 0 : i32
        %scan3A_117 = arith.constant 48 : i32
        %scan3A_118 = arith.addi %scan3A_116, %scan3A_117 : i32
        %scan3A_119 = arith.constant 1 : i32
        scf.for %scan3A_121 = %scan3A_116 to %scan3A_118 step %scan3A_119  : i32 {
          %get3A_122 = arith.index_cast %scan3A_121 : i32 to index
          %get3A_123 = arith.constant 0 : index
          %get3A_124 = tpu.vector_load %arg11[%get3A_122, %get3A_123] {strides = array<i32>} : memref<48x256xf32, #tpu.memory_space<vmem>>, vector<1x16xf32>,
          %get3A_125 = vector.shape_cast %get3A_124 : vector<1x16xf32> to vector<16xf32>
          %get3A_126 = arith.index_cast %scan3A_121 : i32 to index
          %get3A_127 = arith.constant 0 : index
          %get3A_128 = tpu.vector_load %arg12[%get3A_126, %get3A_127] {strides = array<i32>} : memref<48x256xf32, #tpu.memory_space<vmem>>, vector<1x16xf32>,
          %get3A_129 = vector.shape_cast %get3A_128 : vector<1x16xf32> to vector<16xf32>
          %mul3A_130 = arith.mulf %get3A_125, %get3A_129 : vector<16xf32>
          %get3A_131 = arith.index_cast %scan3A_121 : i32 to index
          %get3A_132 = arith.constant 16 : index
          %get3A_133 = tpu.vector_load %arg11[%get3A_131, %get3A_132] {strides = array<i32>} : memref<48x256xf32, #tpu.memory_space<vmem>>, vector<1x16xf32>,
          %get3A_134 = vector.shape_cast %get3A_133 : vector<1x16xf32> to vector<16xf32>
          %get3A_135 = arith.index_cast %scan3A_121 : i32 to index
          %get3A_136 = arith.constant 16 : index
          %get3A_137 = tpu.vector_load %arg12[%get3A_135, %get3A_136] {strides = array<i32>} : memref<48x256xf32, #tpu.memory_space<vmem>>, vector<1x16xf32>,
          %get3A_138 = vector.shape_cast %get3A_137 : vector<1x16xf32> to vector<16xf32>
          %mul3A_139 = arith.mulf %get3A_134, %get3A_138 : vector<16xf32>
          %get3A_140 = arith.index_cast %scan3A_121 : i32 to index
          %get3A_141 = arith.constant 32 : index
          %get3A_142 = tpu.vector_load %arg11[%get3A_140, %get3A_141] {strides = array<i32>} : memref<48x256xf32, #tpu.memory_space<vmem>>, vector<1x16xf32>,
          %get3A_143 = vector.shape_cast %get3A_142 : vector<1x16xf32> to vector<16xf32>
          %get3A_144 = arith.index_cast %scan3A_121 : i32 to index
          %get3A_145 = arith.constant 32 : index
          %get3A_146 = tpu.vector_load %arg12[%get3A_144, %get3A_145] {strides = array<i32>} : memref<48x256xf32, #tpu.memory_space<vmem>>, vector<1x16xf32>,
          %get3A_147 = vector.shape_cast %get3A_146 : vector<1x16xf32> to vector<16xf32>
          %mul3A_148 = arith.mulf %get3A_143, %get3A_147 : vector<16xf32>
          %get3A_149 = arith.index_cast %scan3A_121 : i32 to index
          %get3A_150 = arith.constant 48 : index
          %get3A_151 = tpu.vector_load %arg11[%get3A_149, %get3A_150] {strides = array<i32>} : memref<48x256xf32, #tpu.memory_space<vmem>>, vector<1x16xf32>,
          %get3A_152 = vector.shape_cast %get3A_151 : vector<1x16xf32> to vector<16xf32>
          %get3A_153 = arith.index_cast %scan3A_121 : i32 to index
          %get3A_154 = arith.constant 48 : index
          %get3A_155 = tpu.vector_load %arg12[%get3A_153, %get3A_154] {strides = array<i32>} : memref<48x256xf32, #tpu.memory_space<vmem>>, vector<1x16xf32>,
          %get3A_156 = vector.shape_cast %get3A_155 : vector<1x16xf32> to vector<16xf32>
          %mul3A_157 = arith.mulf %get3A_152, %get3A_156 : vector<16xf32>
          %get3A_158 = arith.index_cast %scan3A_121 : i32 to index
          %get3A_159 = arith.constant 64 : index
          %get3A_160 = tpu.vector_load %arg11[%get3A_158, %get3A_159] {strides = array<i32>} : memref<48x256xf32, #tpu.memory_space<vmem>>, vector<1x16xf32>,
          %get3A_161 = vector.shape_cast %get3A_160 : vector<1x16xf32> to vector<16xf32>
          %get3A_162 = arith.index_cast %scan3A_121 : i32 to index
          %get3A_163 = arith.constant 64 : index
          %get3A_164 = tpu.vector_load %arg12[%get3A_162, %get3A_163] {strides = array<i32>} : memref<48x256xf32, #tpu.memory_space<vmem>>, vector<1x16xf32>,
          %get3A_165 = vector.shape_cast %get3A_164 : vector<1x16xf32> to vector<16xf32>
          %mul3A_166 = arith.mulf %get3A_161, %get3A_165 : vector<16xf32>
          %get3A_167 = arith.index_cast %scan3A_121 : i32 to index
          %get3A_168 = arith.constant 80 : index
          %get3A_169 = tpu.vector_load %arg11[%get3A_167, %get3A_168] {strides = array<i32>} : memref<48x256xf32, #tpu.memory_space<vmem>>, vector<1x16xf32>,
          %get3A_170 = vector.shape_cast %get3A_169 : vector<1x16xf32> to vector<16xf32>
          %get3A_171 = arith.index_cast %scan3A_121 : i32 to index
          %get3A_172 = arith.constant 80 : index
          %get3A_173 = tpu.vector_load %arg12[%get3A_171, %get3A_172] {strides = array<i32>} : memref<48x256xf32, #tpu.memory_space<vmem>>, vector<1x16xf32>,
          %get3A_174 = vector.shape_cast %get3A_173 : vector<1x16xf32> to vector<16xf32>
          %mul3A_175 = arith.mulf %get3A_170, %get3A_174 : vector<16xf32>
          %get3A_176 = arith.index_cast %scan3A_121 : i32 to index
          %get3A_177 = arith.constant 96 : index
          %get3A_178 = tpu.vector_load %arg11[%get3A_176, %get3A_177] {strides = array<i32>} : memref<48x256xf32, #tpu.memory_space<vmem>>, vector<1x16xf32>,
          %get3A_179 = vector.shape_cast %get3A_178 : vector<1x16xf32> to vector<16xf32>
          %get3A_180 = arith.index_cast %scan3A_121 : i32 to index
          %get3A_181 = arith.constant 96 : index
          %get3A_182 = tpu.vector_load %arg12[%get3A_180, %get3A_181] {strides = array<i32>} : memref<48x256xf32, #tpu.memory_space<vmem>>, vector<1x16xf32>,
          %get3A_183 = vector.shape_cast %get3A_182 : vector<1x16xf32> to vector<16xf32>
          %mul3A_184 = arith.mulf %get3A_179, %get3A_183 : vector<16xf32>
          %get3A_185 = arith.index_cast %scan3A_121 : i32 to index
          %get3A_186 = arith.constant 112 : index
          %get3A_187 = tpu.vector_load %arg11[%get3A_185, %get3A_186] {strides = array<i32>} : memref<48x256xf32, #tpu.memory_space<vmem>>, vector<1x16xf32>,
          %get3A_188 = vector.shape_cast %get3A_187 : vector<1x16xf32> to vector<16xf32>
          %get3A_189 = arith.index_cast %scan3A_121 : i32 to index
          %get3A_190 = arith.constant 112 : index
          %get3A_191 = tpu.vector_load %arg12[%get3A_189, %get3A_190] {strides = array<i32>} : memref<48x256xf32, #tpu.memory_space<vmem>>, vector<1x16xf32>,
          %get3A_192 = vector.shape_cast %get3A_191 : vector<1x16xf32> to vector<16xf32>
          %mul3A_193 = arith.mulf %get3A_188, %get3A_192 : vector<16xf32>
          %get3A_194 = arith.index_cast %scan3A_121 : i32 to index
          %get3A_195 = arith.constant 128 : index
          %get3A_196 = tpu.vector_load %arg11[%get3A_194, %get3A_195] {strides = array<i32>} : memref<48x256xf32, #tpu.memory_space<vmem>>, vector<1x16xf32>,
          %get3A_197 = vector.shape_cast %get3A_196 : vector<1x16xf32> to vector<16xf32>
          %get3A_198 = arith.index_cast %scan3A_121 : i32 to index
          %get3A_199 = arith.constant 128 : index
          %get3A_200 = tpu.vector_load %arg12[%get3A_198, %get3A_199] {strides = array<i32>} : memref<48x256xf32, #tpu.memory_space<vmem>>, vector<1x16xf32>,
          %get3A_201 = vector.shape_cast %get3A_200 : vector<1x16xf32> to vector<16xf32>
          %mul3A_202 = arith.mulf %get3A_197, %get3A_201 : vector<16xf32>
          %get3A_203 = arith.index_cast %scan3A_121 : i32 to index
          %get3A_204 = arith.constant 0 : index
          %get3A_205 = tpu.vector_load %arg13[%get3A_203, %get3A_204] {strides = array<i32>} : memref<48x128xf32, #tpu.memory_space<vmem>>, vector<1x16xf32>,
          %get3A_206 = vector.shape_cast %get3A_205 : vector<1x16xf32> to vector<16xf32>
          %get3A_207 = arith.index_cast %scan3A_121 : i32 to index
          %get3A_208 = arith.constant 16 : index
          %get3A_209 = tpu.vector_load %arg13[%get3A_207, %get3A_208] {strides = array<i32>} : memref<48x128xf32, #tpu.memory_space<vmem>>, vector<1x16xf32>,
          %get3A_210 = vector.shape_cast %get3A_209 : vector<1x16xf32> to vector<16xf32>
          %get3A_211 = arith.index_cast %scan3A_121 : i32 to index
          %get3A_212 = arith.constant 32 : index
          %get3A_213 = tpu.vector_load %arg13[%get3A_211, %get3A_212] {strides = array<i32>} : memref<48x128xf32, #tpu.memory_space<vmem>>, vector<1x16xf32>,
          %get3A_214 = vector.shape_cast %get3A_213 : vector<1x16xf32> to vector<16xf32>
          %get3A_215 = arith.index_cast %scan3A_121 : i32 to index
          %get3A_216 = arith.constant 48 : index
          %get3A_217 = tpu.vector_load %arg13[%get3A_215, %get3A_216] {strides = array<i32>} : memref<48x128xf32, #tpu.memory_space<vmem>>, vector<1x16xf32>,
          %get3A_218 = vector.shape_cast %get3A_217 : vector<1x16xf32> to vector<16xf32>
          %get3A_219 = arith.index_cast %scan3A_121 : i32 to index
          %get3A_220 = arith.constant 64 : index
          %get3A_221 = tpu.vector_load %arg13[%get3A_219, %get3A_220] {strides = array<i32>} : memref<48x128xf32, #tpu.memory_space<vmem>>, vector<1x16xf32>,
          %get3A_222 = vector.shape_cast %get3A_221 : vector<1x16xf32> to vector<16xf32>
          %get3A_223 = arith.index_cast %scan3A_121 : i32 to index
          %get3A_224 = arith.constant 80 : index
          %get3A_225 = tpu.vector_load %arg13[%get3A_223, %get3A_224] {strides = array<i32>} : memref<48x128xf32, #tpu.memory_space<vmem>>, vector<1x16xf32>,
          %get3A_226 = vector.shape_cast %get3A_225 : vector<1x16xf32> to vector<16xf32>
          %get3A_227 = arith.index_cast %scan3A_121 : i32 to index
          %get3A_228 = arith.constant 96 : index
          %get3A_229 = tpu.vector_load %arg13[%get3A_227, %get3A_228] {strides = array<i32>} : memref<48x128xf32, #tpu.memory_space<vmem>>, vector<1x16xf32>,
          %get3A_230 = vector.shape_cast %get3A_229 : vector<1x16xf32> to vector<16xf32>
          %get3A_231 = arith.index_cast %scan3A_121 : i32 to index
          %get3A_232 = arith.constant 112 : index
          %get3A_233 = tpu.vector_load %arg13[%get3A_231, %get3A_232] {strides = array<i32>} : memref<48x128xf32, #tpu.memory_space<vmem>>, vector<1x16xf32>,
          %get3A_234 = vector.shape_cast %get3A_233 : vector<1x16xf32> to vector<16xf32>
          %get3A_235 = arith.index_cast %scan3A_121 : i32 to index
          %get3A_236 = arith.constant 0 : index
          %get3A_237 = tpu.vector_load %arg14[%get3A_235, %get3A_236] {strides = array<i32>} : memref<48x128xf32, #tpu.memory_space<vmem>>, vector<1x16xf32>,
          %get3A_238 = vector.shape_cast %get3A_237 : vector<1x16xf32> to vector<16xf32>
          %get3A_239 = arith.index_cast %scan3A_121 : i32 to index
          %get3A_240 = arith.constant 16 : index
          %get3A_241 = tpu.vector_load %arg14[%get3A_239, %get3A_240] {strides = array<i32>} : memref<48x128xf32, #tpu.memory_space<vmem>>, vector<1x16xf32>,
          %get3A_242 = vector.shape_cast %get3A_241 : vector<1x16xf32> to vector<16xf32>
          %get3A_243 = arith.index_cast %scan3A_121 : i32 to index
          %get3A_244 = arith.constant 32 : index
          %get3A_245 = tpu.vector_load %arg14[%get3A_243, %get3A_244] {strides = array<i32>} : memref<48x128xf32, #tpu.memory_space<vmem>>, vector<1x16xf32>,
          %get3A_246 = vector.shape_cast %get3A_245 : vector<1x16xf32> to vector<16xf32>
          %get3A_247 = arith.index_cast %scan3A_121 : i32 to index
          %get3A_248 = arith.constant 48 : index
          %get3A_249 = tpu.vector_load %arg14[%get3A_247, %get3A_248] {strides = array<i32>} : memref<48x128xf32, #tpu.memory_space<vmem>>, vector<1x16xf32>,
          %get3A_250 = vector.shape_cast %get3A_249 : vector<1x16xf32> to vector<16xf32>
          %get3A_251 = arith.index_cast %scan3A_121 : i32 to index
          %get3A_252 = arith.constant 64 : index
          %get3A_253 = tpu.vector_load %arg14[%get3A_251, %get3A_252] {strides = array<i32>} : memref<48x128xf32, #tpu.memory_space<vmem>>, vector<1x16xf32>,
          %get3A_254 = vector.shape_cast %get3A_253 : vector<1x16xf32> to vector<16xf32>
          %get3A_255 = arith.index_cast %scan3A_121 : i32 to index
          %get3A_256 = arith.constant 80 : index
          %get3A_257 = tpu.vector_load %arg14[%get3A_255, %get3A_256] {strides = array<i32>} : memref<48x128xf32, #tpu.memory_space<vmem>>, vector<1x16xf32>,
          %get3A_258 = vector.shape_cast %get3A_257 : vector<1x16xf32> to vector<16xf32>
          %mul3A_259 = arith.mulf %mul3A_130, %get3A_206 : vector<16xf32>
          %swap3A_260 = arith.index_cast %scan3A_121 : i32 to index
          %swap3A_261 = arith.constant 0 : index
          %swap3A_262 = tpu.vector_load %arg15[%swap3A_260, %swap3A_261] {strides = array<i32>} : memref<48x128xf32, #tpu.memory_space<vmem>>, vector<1x16xf32>,
          %swap3A_263 = vector.shape_cast %swap3A_262 : vector<1x16xf32> to vector<16xf32>
          %swap3A_264 = vector.shape_cast %mul3A_259 : vector<16xf32> to vector<1x16xf32>
          tpu.vector_store %arg15[%swap3A_260, %swap3A_261], %swap3A_264 {strides = array<i32>} : memref<48x128xf32, #tpu.memory_space<vmem>>, vector<1x16xf32>,
          %mul3A_265 = arith.mulf %get3A_214, %get3A_250 : vector<16xf32>
          %mul3A_266 = arith.mulf %get3A_218, %get3A_254 : vector<16xf32>
          %add3A_267 = arith.addf %mul3A_265, %mul3A_266 : vector<16xf32>
          %mul3A_268 = arith.mulf %get3A_222, %get3A_258 : vector<16xf32>
          %add3A_269 = arith.addf %add3A_267, %mul3A_268 : vector<16xf32>
          %swap3A_270 = arith.index_cast %scan3A_121 : i32 to index
          %swap3A_271 = arith.constant 16 : index
          %swap3A_272 = tpu.vector_load %arg15[%swap3A_270, %swap3A_271] {strides = array<i32>} : memref<48x128xf32, #tpu.memory_space<vmem>>, vector<1x16xf32>,
          %swap3A_273 = vector.shape_cast %swap3A_272 : vector<1x16xf32> to vector<16xf32>
          %swap3A_274 = vector.shape_cast %add3A_269 : vector<16xf32> to vector<1x16xf32>
          tpu.vector_store %arg15[%swap3A_270, %swap3A_271], %swap3A_274 {strides = array<i32>} : memref<48x128xf32, #tpu.memory_space<vmem>>, vector<1x16xf32>,
          %get3A_275 = arith.index_cast %scan3A_121 : i32 to index
          %get3A_276 = arith.constant 144 : index
          %get3A_277 = tpu.vector_load %arg12[%get3A_275, %get3A_276] {strides = array<i32>} : memref<48x256xf32, #tpu.memory_space<vmem>>, vector<1x16xf32>,
          %get3A_278 = vector.shape_cast %get3A_277 : vector<1x16xf32> to vector<16xf32>
          %mul3A_279 = arith.mulf %get3A_218, %get3A_258 : vector<16xf32>
          %mul3A_280 = arith.mulf %get3A_222, %get3A_254 : vector<16xf32>
          %sub3A = arith.subf %mul3A_279, %mul3A_280 : vector<16xf32>
          %mul3A_281 = arith.mulf %get3A_218, %get3A_246 : vector<16xf32>
          %mul3A_282 = arith.mulf %get3A_222, %get3A_242 : vector<16xf32>
          %sub3A_283 = arith.subf %mul3A_281, %mul3A_282 : vector<16xf32>
          %mul3A_284 = arith.mulf %get3A_230, %get3A_258 : vector<16xf32>
          %mul3A_285 = arith.mulf %get3A_234, %get3A_254 : vector<16xf32>
          %sub3A_286 = arith.subf %mul3A_284, %mul3A_285 : vector<16xf32>
          %mul3A_287 = arith.mulf %mul3A_139, %get3A_278 : vector<16xf32>
          %mul3A_288 = arith.mulf %mul3A_148, %get3A_238 : vector<16xf32>
          %add3A_289 = arith.addf %mul3A_287, %mul3A_288 : vector<16xf32>
          %mul3A_290 = arith.mulf %mul3A_157, %sub3A : vector<16xf32>
          %add3A_291 = arith.addf %add3A_289, %mul3A_290 : vector<16xf32>
          %mul3A_292 = arith.mulf %mul3A_166, %get3A_210 : vector<16xf32>
          %mul3A_293 = arith.mulf %mul3A_292, %get3A_250 : vector<16xf32>
          %add3A_294 = arith.addf %add3A_291, %mul3A_293 : vector<16xf32>
          %swap3A_295 = arith.index_cast %scan3A_121 : i32 to index
          %swap3A_296 = arith.constant 32 : index
          %swap3A_297 = tpu.vector_load %arg15[%swap3A_295, %swap3A_296] {strides = array<i32>} : memref<48x128xf32, #tpu.memory_space<vmem>>, vector<1x16xf32>,
          %swap3A_298 = vector.shape_cast %swap3A_297 : vector<1x16xf32> to vector<16xf32>
          %swap3A_299 = vector.shape_cast %add3A_294 : vector<16xf32> to vector<1x16xf32>
          tpu.vector_store %arg15[%swap3A_295, %swap3A_296], %swap3A_299 {strides = array<i32>} : memref<48x128xf32, #tpu.memory_space<vmem>>, vector<1x16xf32>,
          %mul3A_300 = arith.mulf %mul3A_175, %get3A_250 : vector<16xf32>
          %mul3A_301 = arith.mulf %mul3A_184, %get3A_210 : vector<16xf32>
          %mul3A_302 = arith.mulf %mul3A_301, %get3A_238 : vector<16xf32>
          %add3A_303 = arith.addf %mul3A_300, %mul3A_302 : vector<16xf32>
          %mul3A_304 = arith.mulf %mul3A_193, %sub3A_283 : vector<16xf32>
          %add3A_305 = arith.addf %add3A_303, %mul3A_304 : vector<16xf32>
          %mul3A_306 = arith.mulf %mul3A_202, %sub3A_286 : vector<16xf32>
          %add3A_307 = arith.addf %add3A_305, %mul3A_306 : vector<16xf32>
          %swap3A_308 = arith.index_cast %scan3A_121 : i32 to index
          %swap3A_309 = arith.constant 80 : index
          %swap3A_310 = tpu.vector_load %arg15[%swap3A_308, %swap3A_309] {strides = array<i32>} : memref<48x128xf32, #tpu.memory_space<vmem>>, vector<1x16xf32>,
          %swap3A_311 = vector.shape_cast %swap3A_310 : vector<1x16xf32> to vector<16xf32>
          %swap3A_312 = vector.shape_cast %add3A_307 : vector<16xf32> to vector<1x16xf32>
          tpu.vector_store %arg15[%swap3A_308, %swap3A_309], %swap3A_312 {strides = array<i32>} : memref<48x128xf32, #tpu.memory_space<vmem>>, vector<1x16xf32>,
          %get3A_313 = arith.index_cast %scan3A_121 : i32 to index
          %get3A_314 = arith.constant 160 : index
          %get3A_315 = tpu.vector_load %arg12[%get3A_313, %get3A_314] {strides = array<i32>} : memref<48x256xf32, #tpu.memory_space<vmem>>, vector<1x16xf32>,
          %get3A_316 = vector.shape_cast %get3A_315 : vector<1x16xf32> to vector<16xf32>
          %mul3A_317 = arith.mulf %get3A_222, %get3A_250 : vector<16xf32>
          %mul3A_318 = arith.mulf %get3A_214, %get3A_258 : vector<16xf32>
          %sub3A_319 = arith.subf %mul3A_317, %mul3A_318 : vector<16xf32>
          %mul3A_320 = arith.mulf %get3A_222, %get3A_238 : vector<16xf32>
          %mul3A_321 = arith.mulf %get3A_214, %get3A_246 : vector<16xf32>
          %sub3A_322 = arith.subf %mul3A_320, %mul3A_321 : vector<16xf32>
          %mul3A_323 = arith.mulf %get3A_234, %get3A_250 : vector<16xf32>
          %mul3A_324 = arith.mulf %get3A_226, %get3A_258 : vector<16xf32>
          %sub3A_325 = arith.subf %mul3A_323, %mul3A_324 : vector<16xf32>
          %mul3A_326 = arith.mulf %mul3A_139, %get3A_316 : vector<16xf32>
          %mul3A_327 = arith.mulf %mul3A_148, %get3A_242 : vector<16xf32>
          %add3A_328 = arith.addf %mul3A_326, %mul3A_327 : vector<16xf32>
          %mul3A_329 = arith.mulf %mul3A_157, %sub3A_319 : vector<16xf32>
          %add3A_330 = arith.addf %add3A_328, %mul3A_329 : vector<16xf32>
          %mul3A_331 = arith.mulf %mul3A_166, %get3A_210 : vector<16xf32>
          %mul3A_332 = arith.mulf %mul3A_331, %get3A_254 : vector<16xf32>
          %add3A_333 = arith.addf %add3A_330, %mul3A_332 : vector<16xf32>
          %swap3A_334 = arith.index_cast %scan3A_121 : i32 to index
          %swap3A_335 = arith.constant 48 : index
          %swap3A_336 = tpu.vector_load %arg15[%swap3A_334, %swap3A_335] {strides = array<i32>} : memref<48x128xf32, #tpu.memory_space<vmem>>, vector<1x16xf32>,
          %swap3A_337 = vector.shape_cast %swap3A_336 : vector<1x16xf32> to vector<16xf32>
          %swap3A_338 = vector.shape_cast %add3A_333 : vector<16xf32> to vector<1x16xf32>
          tpu.vector_store %arg15[%swap3A_334, %swap3A_335], %swap3A_338 {strides = array<i32>} : memref<48x128xf32, #tpu.memory_space<vmem>>, vector<1x16xf32>,
          %mul3A_339 = arith.mulf %mul3A_175, %get3A_254 : vector<16xf32>
          %mul3A_340 = arith.mulf %mul3A_184, %get3A_210 : vector<16xf32>
          %mul3A_341 = arith.mulf %mul3A_340, %get3A_242 : vector<16xf32>
          %add3A_342 = arith.addf %mul3A_339, %mul3A_341 : vector<16xf32>
          %mul3A_343 = arith.mulf %mul3A_193, %sub3A_322 : vector<16xf32>
          %add3A_344 = arith.addf %add3A_342, %mul3A_343 : vector<16xf32>
          %mul3A_345 = arith.mulf %mul3A_202, %sub3A_325 : vector<16xf32>
          %add3A_346 = arith.addf %add3A_344, %mul3A_345 : vector<16xf32>
          %swap3A_347 = arith.index_cast %scan3A_121 : i32 to index
          %swap3A_348 = arith.constant 96 : index
          %swap3A_349 = tpu.vector_load %arg15[%swap3A_347, %swap3A_348] {strides = array<i32>} : memref<48x128xf32, #tpu.memory_space<vmem>>, vector<1x16xf32>,
          %swap3A_350 = vector.shape_cast %swap3A_349 : vector<1x16xf32> to vector<16xf32>
          %swap3A_351 = vector.shape_cast %add3A_346 : vector<16xf32> to vector<1x16xf32>
          tpu.vector_store %arg15[%swap3A_347, %swap3A_348], %swap3A_351 {strides = array<i32>} : memref<48x128xf32, #tpu.memory_space<vmem>>, vector<1x16xf32>,
          %get3A_352 = arith.index_cast %scan3A_121 : i32 to index
          %get3A_353 = arith.constant 176 : index
          %get3A_354 = tpu.vector_load %arg12[%get3A_352, %get3A_353] {strides = array<i32>} : memref<48x256xf32, #tpu.memory_space<vmem>>, vector<1x16xf32>,
          %get3A_355 = vector.shape_cast %get3A_354 : vector<1x16xf32> to vector<16xf32>
          %mul3A_356 = arith.mulf %get3A_214, %get3A_254 : vector<16xf32>
          %mul3A_357 = arith.mulf %get3A_218, %get3A_250 : vector<16xf32>
          %sub3A_358 = arith.subf %mul3A_356, %mul3A_357 : vector<16xf32>
          %mul3A_359 = arith.mulf %get3A_214, %get3A_242 : vector<16xf32>
          %mul3A_360 = arith.mulf %get3A_218, %get3A_238 : vector<16xf32>
          %sub3A_361 = arith.subf %mul3A_359, %mul3A_360 : vector<16xf32>
          %mul3A_362 = arith.mulf %get3A_226, %get3A_254 : vector<16xf32>
          %mul3A_363 = arith.mulf %get3A_230, %get3A_250 : vector<16xf32>
          %sub3A_364 = arith.subf %mul3A_362, %mul3A_363 : vector<16xf32>
          %mul3A_365 = arith.mulf %mul3A_139, %get3A_355 : vector<16xf32>
          %mul3A_366 = arith.mulf %mul3A_148, %get3A_246 : vector<16xf32>
          %add3A_367 = arith.addf %mul3A_365, %mul3A_366 : vector<16xf32>
          %mul3A_368 = arith.mulf %mul3A_157, %sub3A_358 : vector<16xf32>
          %add3A_369 = arith.addf %add3A_367, %mul3A_368 : vector<16xf32>
          %mul3A_370 = arith.mulf %mul3A_166, %get3A_210 : vector<16xf32>
          %mul3A_371 = arith.mulf %mul3A_370, %get3A_258 : vector<16xf32>
          %add3A_372 = arith.addf %add3A_369, %mul3A_371 : vector<16xf32>
          %swap3A_373 = arith.index_cast %scan3A_121 : i32 to index
          %swap3A_374 = arith.constant 64 : index
          %swap3A_375 = tpu.vector_load %arg15[%swap3A_373, %swap3A_374] {strides = array<i32>} : memref<48x128xf32, #tpu.memory_space<vmem>>, vector<1x16xf32>,
          %swap3A_376 = vector.shape_cast %swap3A_375 : vector<1x16xf32> to vector<16xf32>
          %swap3A_377 = vector.shape_cast %add3A_372 : vector<16xf32> to vector<1x16xf32>
          tpu.vector_store %arg15[%swap3A_373, %swap3A_374], %swap3A_377 {strides = array<i32>} : memref<48x128xf32, #tpu.memory_space<vmem>>, vector<1x16xf32>,
          %mul3A_378 = arith.mulf %mul3A_175, %get3A_258 : vector<16xf32>
          %mul3A_379 = arith.mulf %mul3A_184, %get3A_210 : vector<16xf32>
          %mul3A_380 = arith.mulf %mul3A_379, %get3A_246 : vector<16xf32>
          %add3A_381 = arith.addf %mul3A_378, %mul3A_380 : vector<16xf32>
          %mul3A_382 = arith.mulf %mul3A_193, %sub3A_361 : vector<16xf32>
          %add3A_383 = arith.addf %add3A_381, %mul3A_382 : vector<16xf32>
          %mul3A_384 = arith.mulf %mul3A_202, %sub3A_364 : vector<16xf32>
          %add3A_385 = arith.addf %add3A_383, %mul3A_384 : vector<16xf32>
          %swap3A_386 = arith.index_cast %scan3A_121 : i32 to index
          %swap3A_387 = arith.constant 112 : index
          %swap3A_388 = tpu.vector_load %arg15[%swap3A_386, %swap3A_387] {strides = array<i32>} : memref<48x128xf32, #tpu.memory_space<vmem>>, vector<1x16xf32>,
          %swap3A_389 = vector.shape_cast %swap3A_388 : vector<1x16xf32> to vector<16xf32>
          %swap3A_390 = vector.shape_cast %add3A_385 : vector<16xf32> to vector<1x16xf32>
          tpu.vector_store %arg15[%swap3A_386, %swap3A_387], %swap3A_390 {strides = array<i32>} : memref<48x128xf32, #tpu.memory_space<vmem>>, vector<1x16xf32>,
        }
        %scan3A_120 = arith.constant 48 : i32
        "tpu.region"() ({
          %run_scoped3A = tpu.sem_alloc : memref<!tpu.dma_semaphore, #tpu.memory_space<semaphore_mem>>
          %dma_start3A_121 = arith.constant 0 : i32
          %dma_start3A_122 = arith.constant 0 : i32
          %dma_start3A_123 = tpu.memref_slice %arg22[%dma_start3A_121, %dma_start3A_122] : memref<10112x128xf32, #tpu.memory_space<vmem_shared>> -> memref<10112x128xf32, #tpu.memory_space<vmem_shared>>
          tpu.enqueue_indirect_dma source(%arg15 : memref<48x128xf32, #tpu.memory_space<vmem>>) target(%dma_start3A_123 : memref<10112x128xf32, #tpu.memory_space<vmem_shared>>) offsets(%arg20 : memref<48xi32, #tpu.memory_space<vmem>>) semaphore(%run_scoped3A : memref<!tpu.dma_semaphore, #tpu.memory_space<semaphore_mem>>) {add = true}
          %dma_wait3A_124 = arith.constant 0 : i32
          %dma_wait3A_125 = arith.constant 0 : i32
          %dma_wait3A_126 = tpu.memref_slice %arg22[%dma_wait3A_124, %dma_wait3A_125] : memref<10112x128xf32, #tpu.memory_space<vmem_shared>> -> memref<10112x128xf32, #tpu.memory_space<vmem_shared>>
          tpu.wait_indirect_dma semaphore(%run_scoped3A : memref<!tpu.dma_semaphore, #tpu.memory_space<semaphore_mem>>) src(%arg15 : memref<48x128xf32, #tpu.memory_space<vmem>>) dst(%dma_wait3A_126 : memref<10112x128xf32, #tpu.memory_space<vmem_shared>>)
          tpu.yield
        }) : () -> ()
      }
      %scan3A_16 = arith.constant 105 : i32
      %barrier3A_17 = arith.constant 0 : index
      tpu.barrier barrier_id(%barrier3A_17)
      "tpu.region"() ({
        %run_scoped3A = tpu.sem_alloc : memref<!tpu.dma_semaphore, #tpu.memory_space<semaphore_mem>>
        %dma_start3A = arith.constant 0 : i32
        %dma_start3A_19 = tpu.memref_slice %arg10[%arg0, %scan3A_10, %mul3A_4, %dma_start3A] : memref<2x8x10112x128xf32, #tpu.memory_space<hbm>> -> memref<1x1x632x128xf32, #tpu.memory_space<hbm>>
        %dma_start3A_20 = tpu.memref_squeeze %dma_start3A_19 : memref<1x1x632x128xf32, #tpu.memory_space<hbm>> -> memref<632x128xf32, #tpu.memory_space<hbm>>
        %dma_start3A_21 = arith.constant 0 : i32
        %dma_start3A_22 = tpu.memref_slice %arg22[%mul3A_4, %dma_start3A_21] : memref<10112x128xf32, #tpu.memory_space<vmem_shared>> -> memref<632x128xf32, #tpu.memory_space<vmem_shared>>
        tpu.enqueue_dma source(%dma_start3A_22 : memref<632x128xf32, #tpu.memory_space<vmem_shared>>) target(%dma_start3A_20 : memref<632x128xf32, #tpu.memory_space<hbm>>) target_semaphore(%run_scoped3A : memref<!tpu.dma_semaphore, #tpu.memory_space<semaphore_mem>>)
        %dma_wait3A = arith.constant 0 : i32
        %dma_wait3A_23 = tpu.memref_slice %arg10[%arg0, %scan3A_10, %mul3A_4, %dma_wait3A] : memref<2x8x10112x128xf32, #tpu.memory_space<hbm>> -> memref<1x1x632x128xf32, #tpu.memory_space<hbm>>
        %dma_wait3A_24 = tpu.memref_squeeze %dma_wait3A_23 : memref<1x1x632x128xf32, #tpu.memory_space<hbm>> -> memref<632x128xf32, #tpu.memory_space<hbm>>
        %dma_wait3A_25 = arith.constant 0 : i32
        %dma_wait3A_26 = tpu.memref_slice %arg22[%mul3A_4, %dma_wait3A_25] : memref<10112x128xf32, #tpu.memory_space<vmem_shared>> -> memref<632x128xf32, #tpu.memory_space<vmem_shared>>
        tpu.wait_dma2 semaphore(%run_scoped3A : memref<!tpu.dma_semaphore, #tpu.memory_space<semaphore_mem>>) src(%dma_wait3A_26 : memref<632x128xf32, #tpu.memory_space<vmem_shared>>) dst(%dma_wait3A_24 : memref<632x128xf32, #tpu.memory_space<hbm>>)
        tpu.yield
      }) : () -> ()
      %barrier3A_18 = arith.constant 0 : index
      tpu.barrier barrier_id(%barrier3A_18)
    }
    %scan3A_9 = arith.constant 8 : i32
    return
  }
}

module attributes {stable_mosaic.version = 14 : i64} {
  func.func @body(%arg0: i32, %arg1: memref<256x128xf32, #tpu.memory_space<vmem>>, %arg2: memref<128x128xf32, #tpu.memory_space<vmem>>, %arg3: memref<1x128xf32, #tpu.memory_space<vmem>>, %arg4: memref<128x2048xf32, #tpu.memory_space<vmem>>, %arg5: memref<1x2048xf32, #tpu.memory_space<vmem>>, %arg6: memref<256x2048xf32, #tpu.memory_space<vmem>>) attributes {dimension_semantics = [#tpu.dimension_semantics<arbitrary>], iteration_bounds = array<i64: 40>, scalar_prefetch = 0 : i64, scratch_operands = 0 : i64, tpu.core_type = #tpu.core_type<tc>, window_params = [{transform_indices = @transform_0, window_bounds = array<i64: 256, 128>}, {pipeline_mode = #tpu.pipeline_mode<synchronous>, transform_indices = @transform_1, window_bounds = array<i64: 128, 128>}, {pipeline_mode = #tpu.pipeline_mode<synchronous>, transform_indices = @transform_2, window_bounds = array<i64: 1, 128>}, {pipeline_mode = #tpu.pipeline_mode<synchronous>, transform_indices = @transform_3, window_bounds = array<i64: 128, 2048>}, {pipeline_mode = #tpu.pipeline_mode<synchronous>, transform_indices = @transform_4, window_bounds = array<i64: 1, 2048>}, {transform_indices = @transform_5, window_bounds = array<i64: 256, 2048>}]} {
    %get3A = arith.constant 0 : index
    %get3A_0 = arith.constant 0 : index
    %get3A_1 = vector.load %arg1[%get3A, %get3A_0] : memref<256x128xf32, #tpu.memory_space<vmem>>, vector<256x128xf32>
    %get3A_2 = arith.constant 0 : index
    %get3A_3 = arith.constant 0 : index
    %get3A_4 = vector.load %arg2[%get3A_2, %get3A_3] : memref<128x128xf32, #tpu.memory_space<vmem>>, vector<128x128xf32>
    %dot_general3A = arith.constant dense<0.000000e+00> : vector<256x128xf32>
    %dot_general3A_5 = tpu.matmul %get3A_1, %get3A_4, %dot_general3A {dimension_numbers = #tpu.dot_dimension_numbers<[1], [0], [0], [1], [0, 0, 1, 1], [], []>, transpose_lhs_hint = false} : vector<256x128xf32>, vector<128x128xf32>, vector<256x128xf32> -> vector<256x128xf32>
    %get3A_6 = arith.constant 0 : index
    %get3A_7 = arith.constant 0 : index
    %get3A_8 = vector.load %arg3[%get3A_6, %get3A_7] : memref<1x128xf32, #tpu.memory_space<vmem>>, vector<1x128xf32>
    %add3A = vector.broadcast %get3A_8 : vector<1x128xf32> to vector<256x128xf32>
    %add3A_9 = arith.addf %dot_general3A_5, %add3A : vector<256x128xf32>
    %logistic3A = arith.negf %add3A_9 : vector<256x128xf32>
    %logistic3A_10 = math.exp %logistic3A : vector<256x128xf32>
    %logistic3A_11 = arith.constant 1.000000e+00 : f32
    %logistic3A_12 = vector.broadcast %logistic3A_11 : f32 to vector<256x128xf32>
    %logistic3A_13 = arith.addf %logistic3A_12, %logistic3A_10 : vector<256x128xf32>
    %logistic3A_14 = arith.divf %logistic3A_12, %logistic3A_13 : vector<256x128xf32>
    %mul3A = arith.mulf %add3A_9, %logistic3A_14 : vector<256x128xf32>
    %get3A_15 = arith.constant 0 : index
    %get3A_16 = arith.constant 0 : index
    %get3A_17 = vector.load %arg4[%get3A_15, %get3A_16] : memref<128x2048xf32, #tpu.memory_space<vmem>>, vector<128x2048xf32>
    %dot_general3A_18 = arith.constant dense<0.000000e+00> : vector<256x2048xf32>
    %dot_general3A_19 = tpu.matmul %mul3A, %get3A_17, %dot_general3A_18 {dimension_numbers = #tpu.dot_dimension_numbers<[1], [0], [0], [1], [0, 0, 1, 1], [], []>, transpose_lhs_hint = false} : vector<256x128xf32>, vector<128x2048xf32>, vector<256x2048xf32> -> vector<256x2048xf32>
    %get3A_20 = arith.constant 0 : index
    %get3A_21 = arith.constant 0 : index
    %get3A_22 = vector.load %arg5[%get3A_20, %get3A_21] : memref<1x2048xf32, #tpu.memory_space<vmem>>, vector<1x2048xf32>
    %add3A_23 = vector.broadcast %get3A_22 : vector<1x2048xf32> to vector<256x2048xf32>
    %add3A_24 = arith.addf %dot_general3A_19, %add3A_23 : vector<256x2048xf32>
    %swap3A = arith.constant 0 : index
    %swap3A_25 = arith.constant 0 : index
    %swap3A_26 = vector.load %arg6[%swap3A, %swap3A_25] : memref<256x2048xf32, #tpu.memory_space<vmem>>, vector<256x2048xf32>
    tpu.vector_store %arg6[%swap3A, %swap3A_25], %add3A_24 {strides = array<i32>} : memref<256x2048xf32, #tpu.memory_space<vmem>>, vector<256x2048xf32>,
    return
  }
  func.func @transform_0(%arg0: i32) -> (i32, i32) {
    %c0_i32 = arith.constant 0 : i32
    %c0_i32_0 = arith.constant 0 : i32
    return %arg0, %c0_i32 : i32, i32
  }
  func.func @transform_1(%arg0: i32) -> (i32, i32) {
    %c0_i32 = arith.constant 0 : i32
    %c0_i32_0 = arith.constant 0 : i32
    %c0_i32_1 = arith.constant 0 : i32
    return %c0_i32, %c0_i32_0 : i32, i32
  }
  func.func @transform_2(%arg0: i32) -> (i32, i32) {
    %c0_i32 = arith.constant 0 : i32
    %c0_i32_0 = arith.constant 0 : i32
    %c0_i32_1 = arith.constant 0 : i32
    return %c0_i32, %c0_i32_0 : i32, i32
  }
  func.func @transform_3(%arg0: i32) -> (i32, i32) {
    %c0_i32 = arith.constant 0 : i32
    %c0_i32_0 = arith.constant 0 : i32
    %c0_i32_1 = arith.constant 0 : i32
    return %c0_i32, %c0_i32_0 : i32, i32
  }
  func.func @transform_4(%arg0: i32) -> (i32, i32) {
    %c0_i32 = arith.constant 0 : i32
    %c0_i32_0 = arith.constant 0 : i32
    %c0_i32_1 = arith.constant 0 : i32
    return %c0_i32, %c0_i32_0 : i32, i32
  }
  func.func @transform_5(%arg0: i32) -> (i32, i32) {
    %c0_i32 = arith.constant 0 : i32
    %c0_i32_0 = arith.constant 0 : i32
    return %arg0, %c0_i32 : i32, i32
  }
}

module attributes {stable_mosaic.version = 14 : i64} {
  func.func @body(%arg0: i32, %arg1: memref<512x3xf32, #tpu.memory_space<vmem>>, %arg2: memref<8x20x144xf32, #tpu.memory_space<vmem>>, %arg3: memref<8x1x144xf32, #tpu.memory_space<vmem>>, %arg4: memref<8x512x256xf32, #tpu.memory_space<vmem>>) attributes {dimension_semantics = [#tpu.dimension_semantics<arbitrary>], iteration_bounds = array<i64: 315>, scalar_prefetch = 0 : i64, scratch_operands = 0 : i64, tpu.core_type = #tpu.core_type<tc>, window_params = [{transform_indices = @transform_0, window_bounds = array<i64: 512, 3>}, {pipeline_mode = #tpu.pipeline_mode<synchronous>, transform_indices = @transform_1, window_bounds = array<i64: 8, 20, 144>}, {pipeline_mode = #tpu.pipeline_mode<synchronous>, transform_indices = @transform_2, window_bounds = array<i64: 8, 1, 144>}, {transform_indices = @transform_3, window_bounds = array<i64: 8, 512, 256>}]} {
    %get3A = arith.constant 0 : index
    %get3A_0 = arith.constant 0 : index
    %get3A_1 = vector.load %arg1[%get3A, %get3A_0] : memref<512x3xf32, #tpu.memory_space<vmem>>, vector<512x3xf32>
    %mul3A = arith.mulf %get3A_1, %get3A_1 : vector<512x3xf32>
    %add3A = arith.constant 9.99999993E-9 : f32
    %add3A_2 = vector.broadcast %add3A : f32 to vector<512x3xf32>
    %add3A_3 = arith.addf %mul3A, %add3A_2 : vector<512x3xf32>
    %reduce_sum3A = arith.constant dense<0.000000e+00> : vector<512xf32>
    %reduce_sum3A_4 = vector.multi_reduction <add>, %add3A_3, %reduce_sum3A [1] : vector<512x3xf32> to vector<512xf32>
    %broadcast_in_dim3A = vector.shape_cast %reduce_sum3A_4 : vector<512xf32> to vector<512x1xf32>
    %sqrt3A = math.sqrt %broadcast_in_dim3A : vector<512x1xf32>
    %div3A = vector.broadcast %sqrt3A : vector<512x1xf32> to vector<512x3xf32>
    %div3A_5 = arith.divf %get3A_1, %div3A : vector<512x3xf32>
    %slice3A = vector.extract_strided_slice %div3A_5 {offsets = [0, 0], sizes = [512, 1], strides = [1, 1]} : vector<512x3xf32> to vector<512x1xf32>
    %broadcast_in_dim3A_6 = vector.shape_cast %slice3A : vector<512x1xf32> to vector<512x1xf32>
    %broadcast_in_dim3A_7 = vector.broadcast %broadcast_in_dim3A_6 : vector<512x1xf32> to vector<512x16xf32>
    %slice3A_8 = vector.extract_strided_slice %div3A_5 {offsets = [0, 1], sizes = [512, 1], strides = [1, 1]} : vector<512x3xf32> to vector<512x1xf32>
    %broadcast_in_dim3A_9 = vector.shape_cast %slice3A_8 : vector<512x1xf32> to vector<512x1xf32>
    %broadcast_in_dim3A_10 = vector.broadcast %broadcast_in_dim3A_9 : vector<512x1xf32> to vector<512x16xf32>
    %slice3A_11 = vector.extract_strided_slice %div3A_5 {offsets = [0, 2], sizes = [512, 1], strides = [1, 1]} : vector<512x3xf32> to vector<512x1xf32>
    %broadcast_in_dim3A_12 = vector.shape_cast %slice3A_11 : vector<512x1xf32> to vector<512x1xf32>
    %broadcast_in_dim3A_13 = vector.broadcast %broadcast_in_dim3A_12 : vector<512x1xf32> to vector<512x16xf32>
    %concatenate3A = tpu.concatenate %broadcast_in_dim3A_7, %broadcast_in_dim3A_10, %broadcast_in_dim3A_13 in 1 : vector<512x16xf32>, vector<512x16xf32>, vector<512x16xf32> -> vector<512x48xf32>
    %iota3A = tpu.iota {dimensions = array<i32: 1>} : vector<512x20xi32>
    %add3A_14 = arith.constant 1 : i32
    %add3A_15 = vector.broadcast %add3A_14 : i32 to vector<512x20xi32>
    %add3A_16 = arith.addi %iota3A, %add3A_15 : vector<512x20xi32>
    %convert_element_type3A = arith.sitofp %add3A_16 : vector<512x20xi32> to vector<512x20xf32>
    %mul3A_17 = arith.constant 0.628318548 : f32
    %mul3A_18 = vector.broadcast %mul3A_17 : f32 to vector<512x20xf32>
    %mul3A_19 = arith.mulf %convert_element_type3A, %mul3A_18 : vector<512x20xf32>
    %mul3A_20 = vector.broadcast %sqrt3A : vector<512x1xf32> to vector<512x20xf32>
    %mul3A_21 = arith.mulf %mul3A_19, %mul3A_20 : vector<512x20xf32>
    %sin3A = math.sin %mul3A_21 : vector<512x20xf32>
    %div3A_22 = vector.broadcast %sqrt3A : vector<512x1xf32> to vector<512x20xf32>
    %div3A_23 = arith.divf %sin3A, %div3A_22 : vector<512x20xf32>
    %mul3A_24 = arith.constant 0.628318548 : f32
    %mul3A_25 = vector.broadcast %mul3A_24 : f32 to vector<512x1xf32>
    %mul3A_26 = arith.mulf %sqrt3A, %mul3A_25 : vector<512x1xf32>
    %cos3A = math.cos %mul3A_26 : vector<512x1xf32>
    %add3A_27 = arith.constant 1.000000e+00 : f32
    %add3A_28 = vector.broadcast %add3A_27 : f32 to vector<512x1xf32>
    %add3A_29 = arith.addf %cos3A, %add3A_28 : vector<512x1xf32>
    %mul3A_30 = arith.constant 5.000000e-01 : f32
    %mul3A_31 = vector.broadcast %mul3A_30 : f32 to vector<512x1xf32>
    %mul3A_32 = arith.mulf %mul3A_31, %add3A_29 : vector<512x1xf32>
    %lt3A = arith.constant 5.000000e+00 : f32
    %lt3A_33 = vector.broadcast %lt3A : f32 to vector<512x1xf32>
    %lt3A_34 = arith.cmpf olt, %sqrt3A, %lt3A_33 : vector<512x1xf32>
    %jit3A = arith.constant 0.000000e+00 : f32
    %broadcast_in_dim3A_35 = vector.broadcast %jit3A : f32 to vector<512x1xf32>
    %select_n3A = arith.select %lt3A_34, %mul3A_32, %broadcast_in_dim3A_35 : vector<512x1xi1>, vector<512x1xf32>
    %broadcast_in_dim3A_36 = arith.constant 0.000000e+00 : f32
    %broadcast_in_dim3A_37 = vector.broadcast %broadcast_in_dim3A_36 : f32 to vector<512x64xf32>
    %get3A_38 = arith.constant 0 : index
    %get3A_39 = arith.constant 0 : index
    %get3A_40 = arith.constant 0 : index
    %get3A_41 = vector.load %arg2[%get3A_38, %get3A_39, %get3A_40] : memref<8x20x144xf32, #tpu.memory_space<vmem>>, vector<1x20x144xf32>
    %get3A_42 = vector.shape_cast %get3A_41 : vector<1x20x144xf32> to vector<20x144xf32>
    %dot_general3A = arith.constant dense<0.000000e+00> : vector<512x144xf32>
    %dot_general3A_43 = tpu.matmul %div3A_23, %get3A_42, %dot_general3A {dimension_numbers = #tpu.dot_dimension_numbers<[1], [0], [0], [1], [0, 0, 1, 1], [], []>, transpose_lhs_hint = false} : vector<512x20xf32>, vector<20x144xf32>, vector<512x144xf32> -> vector<512x144xf32>
    %get3A_44 = arith.constant 0 : index
    %get3A_45 = arith.constant 0 : index
    %get3A_46 = arith.constant 0 : index
    %get3A_47 = vector.load %arg3[%get3A_44, %get3A_45, %get3A_46] : memref<8x1x144xf32, #tpu.memory_space<vmem>>, vector<1x1x144xf32>
    %get3A_48 = vector.shape_cast %get3A_47 : vector<1x1x144xf32> to vector<1x144xf32>
    %add3A_49 = vector.broadcast %get3A_48 : vector<1x144xf32> to vector<512x144xf32>
    %add3A_50 = arith.addf %dot_general3A_43, %add3A_49 : vector<512x144xf32>
    %mul3A_51 = vector.broadcast %select_n3A : vector<512x1xf32> to vector<512x144xf32>
    %mul3A_52 = arith.mulf %add3A_50, %mul3A_51 : vector<512x144xf32>
    %concatenate3A_53 = tpu.concatenate %mul3A_52, %concatenate3A, %broadcast_in_dim3A_37 in 1 : vector<512x144xf32>, vector<512x48xf32>, vector<512x64xf32> -> vector<512x256xf32>
    %swap3A = arith.constant 0 : index
    %swap3A_54 = arith.constant 0 : index
    %swap3A_55 = arith.constant 0 : index
    %swap3A_56 = vector.load %arg4[%swap3A, %swap3A_54, %swap3A_55] : memref<8x512x256xf32, #tpu.memory_space<vmem>>, vector<1x512x256xf32>
    %swap3A_57 = vector.shape_cast %swap3A_56 : vector<1x512x256xf32> to vector<512x256xf32>
    %swap3A_58 = vector.shape_cast %concatenate3A_53 : vector<512x256xf32> to vector<1x512x256xf32>
    tpu.vector_store %arg4[%swap3A, %swap3A_54, %swap3A_55], %swap3A_58 {strides = array<i32>} : memref<8x512x256xf32, #tpu.memory_space<vmem>>, vector<1x512x256xf32>,
    %get3A_59 = arith.constant 1 : index
    %get3A_60 = arith.constant 0 : index
    %get3A_61 = arith.constant 0 : index
    %get3A_62 = vector.load %arg2[%get3A_59, %get3A_60, %get3A_61] : memref<8x20x144xf32, #tpu.memory_space<vmem>>, vector<1x20x144xf32>
    %get3A_63 = vector.shape_cast %get3A_62 : vector<1x20x144xf32> to vector<20x144xf32>
    %dot_general3A_64 = arith.constant dense<0.000000e+00> : vector<512x144xf32>
    %dot_general3A_65 = tpu.matmul %div3A_23, %get3A_63, %dot_general3A_64 {dimension_numbers = #tpu.dot_dimension_numbers<[1], [0], [0], [1], [0, 0, 1, 1], [], []>, transpose_lhs_hint = false} : vector<512x20xf32>, vector<20x144xf32>, vector<512x144xf32> -> vector<512x144xf32>
    %get3A_66 = arith.constant 1 : index
    %get3A_67 = arith.constant 0 : index
    %get3A_68 = arith.constant 0 : index
    %get3A_69 = vector.load %arg3[%get3A_66, %get3A_67, %get3A_68] : memref<8x1x144xf32, #tpu.memory_space<vmem>>, vector<1x1x144xf32>
    %get3A_70 = vector.shape_cast %get3A_69 : vector<1x1x144xf32> to vector<1x144xf32>
    %add3A_71 = vector.broadcast %get3A_70 : vector<1x144xf32> to vector<512x144xf32>
    %add3A_72 = arith.addf %dot_general3A_65, %add3A_71 : vector<512x144xf32>
    %mul3A_73 = vector.broadcast %select_n3A : vector<512x1xf32> to vector<512x144xf32>
    %mul3A_74 = arith.mulf %add3A_72, %mul3A_73 : vector<512x144xf32>
    %concatenate3A_75 = tpu.concatenate %mul3A_74, %concatenate3A, %broadcast_in_dim3A_37 in 1 : vector<512x144xf32>, vector<512x48xf32>, vector<512x64xf32> -> vector<512x256xf32>
    %swap3A_76 = arith.constant 1 : index
    %swap3A_77 = arith.constant 0 : index
    %swap3A_78 = arith.constant 0 : index
    %swap3A_79 = vector.load %arg4[%swap3A_76, %swap3A_77, %swap3A_78] : memref<8x512x256xf32, #tpu.memory_space<vmem>>, vector<1x512x256xf32>
    %swap3A_80 = vector.shape_cast %swap3A_79 : vector<1x512x256xf32> to vector<512x256xf32>
    %swap3A_81 = vector.shape_cast %concatenate3A_75 : vector<512x256xf32> to vector<1x512x256xf32>
    tpu.vector_store %arg4[%swap3A_76, %swap3A_77, %swap3A_78], %swap3A_81 {strides = array<i32>} : memref<8x512x256xf32, #tpu.memory_space<vmem>>, vector<1x512x256xf32>,
    %get3A_82 = arith.constant 2 : index
    %get3A_83 = arith.constant 0 : index
    %get3A_84 = arith.constant 0 : index
    %get3A_85 = vector.load %arg2[%get3A_82, %get3A_83, %get3A_84] : memref<8x20x144xf32, #tpu.memory_space<vmem>>, vector<1x20x144xf32>
    %get3A_86 = vector.shape_cast %get3A_85 : vector<1x20x144xf32> to vector<20x144xf32>
    %dot_general3A_87 = arith.constant dense<0.000000e+00> : vector<512x144xf32>
    %dot_general3A_88 = tpu.matmul %div3A_23, %get3A_86, %dot_general3A_87 {dimension_numbers = #tpu.dot_dimension_numbers<[1], [0], [0], [1], [0, 0, 1, 1], [], []>, transpose_lhs_hint = false} : vector<512x20xf32>, vector<20x144xf32>, vector<512x144xf32> -> vector<512x144xf32>
    %get3A_89 = arith.constant 2 : index
    %get3A_90 = arith.constant 0 : index
    %get3A_91 = arith.constant 0 : index
    %get3A_92 = vector.load %arg3[%get3A_89, %get3A_90, %get3A_91] : memref<8x1x144xf32, #tpu.memory_space<vmem>>, vector<1x1x144xf32>
    %get3A_93 = vector.shape_cast %get3A_92 : vector<1x1x144xf32> to vector<1x144xf32>
    %add3A_94 = vector.broadcast %get3A_93 : vector<1x144xf32> to vector<512x144xf32>
    %add3A_95 = arith.addf %dot_general3A_88, %add3A_94 : vector<512x144xf32>
    %mul3A_96 = vector.broadcast %select_n3A : vector<512x1xf32> to vector<512x144xf32>
    %mul3A_97 = arith.mulf %add3A_95, %mul3A_96 : vector<512x144xf32>
    %concatenate3A_98 = tpu.concatenate %mul3A_97, %concatenate3A, %broadcast_in_dim3A_37 in 1 : vector<512x144xf32>, vector<512x48xf32>, vector<512x64xf32> -> vector<512x256xf32>
    %swap3A_99 = arith.constant 2 : index
    %swap3A_100 = arith.constant 0 : index
    %swap3A_101 = arith.constant 0 : index
    %swap3A_102 = vector.load %arg4[%swap3A_99, %swap3A_100, %swap3A_101] : memref<8x512x256xf32, #tpu.memory_space<vmem>>, vector<1x512x256xf32>
    %swap3A_103 = vector.shape_cast %swap3A_102 : vector<1x512x256xf32> to vector<512x256xf32>
    %swap3A_104 = vector.shape_cast %concatenate3A_98 : vector<512x256xf32> to vector<1x512x256xf32>
    tpu.vector_store %arg4[%swap3A_99, %swap3A_100, %swap3A_101], %swap3A_104 {strides = array<i32>} : memref<8x512x256xf32, #tpu.memory_space<vmem>>, vector<1x512x256xf32>,
    %get3A_105 = arith.constant 3 : index
    %get3A_106 = arith.constant 0 : index
    %get3A_107 = arith.constant 0 : index
    %get3A_108 = vector.load %arg2[%get3A_105, %get3A_106, %get3A_107] : memref<8x20x144xf32, #tpu.memory_space<vmem>>, vector<1x20x144xf32>
    %get3A_109 = vector.shape_cast %get3A_108 : vector<1x20x144xf32> to vector<20x144xf32>
    %dot_general3A_110 = arith.constant dense<0.000000e+00> : vector<512x144xf32>
    %dot_general3A_111 = tpu.matmul %div3A_23, %get3A_109, %dot_general3A_110 {dimension_numbers = #tpu.dot_dimension_numbers<[1], [0], [0], [1], [0, 0, 1, 1], [], []>, transpose_lhs_hint = false} : vector<512x20xf32>, vector<20x144xf32>, vector<512x144xf32> -> vector<512x144xf32>
    %get3A_112 = arith.constant 3 : index
    %get3A_113 = arith.constant 0 : index
    %get3A_114 = arith.constant 0 : index
    %get3A_115 = vector.load %arg3[%get3A_112, %get3A_113, %get3A_114] : memref<8x1x144xf32, #tpu.memory_space<vmem>>, vector<1x1x144xf32>
    %get3A_116 = vector.shape_cast %get3A_115 : vector<1x1x144xf32> to vector<1x144xf32>
    %add3A_117 = vector.broadcast %get3A_116 : vector<1x144xf32> to vector<512x144xf32>
    %add3A_118 = arith.addf %dot_general3A_111, %add3A_117 : vector<512x144xf32>
    %mul3A_119 = vector.broadcast %select_n3A : vector<512x1xf32> to vector<512x144xf32>
    %mul3A_120 = arith.mulf %add3A_118, %mul3A_119 : vector<512x144xf32>
    %concatenate3A_121 = tpu.concatenate %mul3A_120, %concatenate3A, %broadcast_in_dim3A_37 in 1 : vector<512x144xf32>, vector<512x48xf32>, vector<512x64xf32> -> vector<512x256xf32>
    %swap3A_122 = arith.constant 3 : index
    %swap3A_123 = arith.constant 0 : index
    %swap3A_124 = arith.constant 0 : index
    %swap3A_125 = vector.load %arg4[%swap3A_122, %swap3A_123, %swap3A_124] : memref<8x512x256xf32, #tpu.memory_space<vmem>>, vector<1x512x256xf32>
    %swap3A_126 = vector.shape_cast %swap3A_125 : vector<1x512x256xf32> to vector<512x256xf32>
    %swap3A_127 = vector.shape_cast %concatenate3A_121 : vector<512x256xf32> to vector<1x512x256xf32>
    tpu.vector_store %arg4[%swap3A_122, %swap3A_123, %swap3A_124], %swap3A_127 {strides = array<i32>} : memref<8x512x256xf32, #tpu.memory_space<vmem>>, vector<1x512x256xf32>,
    %get3A_128 = arith.constant 4 : index
    %get3A_129 = arith.constant 0 : index
    %get3A_130 = arith.constant 0 : index
    %get3A_131 = vector.load %arg2[%get3A_128, %get3A_129, %get3A_130] : memref<8x20x144xf32, #tpu.memory_space<vmem>>, vector<1x20x144xf32>
    %get3A_132 = vector.shape_cast %get3A_131 : vector<1x20x144xf32> to vector<20x144xf32>
    %dot_general3A_133 = arith.constant dense<0.000000e+00> : vector<512x144xf32>
    %dot_general3A_134 = tpu.matmul %div3A_23, %get3A_132, %dot_general3A_133 {dimension_numbers = #tpu.dot_dimension_numbers<[1], [0], [0], [1], [0, 0, 1, 1], [], []>, transpose_lhs_hint = false} : vector<512x20xf32>, vector<20x144xf32>, vector<512x144xf32> -> vector<512x144xf32>
    %get3A_135 = arith.constant 4 : index
    %get3A_136 = arith.constant 0 : index
    %get3A_137 = arith.constant 0 : index
    %get3A_138 = vector.load %arg3[%get3A_135, %get3A_136, %get3A_137] : memref<8x1x144xf32, #tpu.memory_space<vmem>>, vector<1x1x144xf32>
    %get3A_139 = vector.shape_cast %get3A_138 : vector<1x1x144xf32> to vector<1x144xf32>
    %add3A_140 = vector.broadcast %get3A_139 : vector<1x144xf32> to vector<512x144xf32>
    %add3A_141 = arith.addf %dot_general3A_134, %add3A_140 : vector<512x144xf32>
    %mul3A_142 = vector.broadcast %select_n3A : vector<512x1xf32> to vector<512x144xf32>
    %mul3A_143 = arith.mulf %add3A_141, %mul3A_142 : vector<512x144xf32>
    %concatenate3A_144 = tpu.concatenate %mul3A_143, %concatenate3A, %broadcast_in_dim3A_37 in 1 : vector<512x144xf32>, vector<512x48xf32>, vector<512x64xf32> -> vector<512x256xf32>
    %swap3A_145 = arith.constant 4 : index
    %swap3A_146 = arith.constant 0 : index
    %swap3A_147 = arith.constant 0 : index
    %swap3A_148 = vector.load %arg4[%swap3A_145, %swap3A_146, %swap3A_147] : memref<8x512x256xf32, #tpu.memory_space<vmem>>, vector<1x512x256xf32>
    %swap3A_149 = vector.shape_cast %swap3A_148 : vector<1x512x256xf32> to vector<512x256xf32>
    %swap3A_150 = vector.shape_cast %concatenate3A_144 : vector<512x256xf32> to vector<1x512x256xf32>
    tpu.vector_store %arg4[%swap3A_145, %swap3A_146, %swap3A_147], %swap3A_150 {strides = array<i32>} : memref<8x512x256xf32, #tpu.memory_space<vmem>>, vector<1x512x256xf32>,
    %get3A_151 = arith.constant 5 : index
    %get3A_152 = arith.constant 0 : index
    %get3A_153 = arith.constant 0 : index
    %get3A_154 = vector.load %arg2[%get3A_151, %get3A_152, %get3A_153] : memref<8x20x144xf32, #tpu.memory_space<vmem>>, vector<1x20x144xf32>
    %get3A_155 = vector.shape_cast %get3A_154 : vector<1x20x144xf32> to vector<20x144xf32>
    %dot_general3A_156 = arith.constant dense<0.000000e+00> : vector<512x144xf32>
    %dot_general3A_157 = tpu.matmul %div3A_23, %get3A_155, %dot_general3A_156 {dimension_numbers = #tpu.dot_dimension_numbers<[1], [0], [0], [1], [0, 0, 1, 1], [], []>, transpose_lhs_hint = false} : vector<512x20xf32>, vector<20x144xf32>, vector<512x144xf32> -> vector<512x144xf32>
    %get3A_158 = arith.constant 5 : index
    %get3A_159 = arith.constant 0 : index
    %get3A_160 = arith.constant 0 : index
    %get3A_161 = vector.load %arg3[%get3A_158, %get3A_159, %get3A_160] : memref<8x1x144xf32, #tpu.memory_space<vmem>>, vector<1x1x144xf32>
    %get3A_162 = vector.shape_cast %get3A_161 : vector<1x1x144xf32> to vector<1x144xf32>
    %add3A_163 = vector.broadcast %get3A_162 : vector<1x144xf32> to vector<512x144xf32>
    %add3A_164 = arith.addf %dot_general3A_157, %add3A_163 : vector<512x144xf32>
    %mul3A_165 = vector.broadcast %select_n3A : vector<512x1xf32> to vector<512x144xf32>
    %mul3A_166 = arith.mulf %add3A_164, %mul3A_165 : vector<512x144xf32>
    %concatenate3A_167 = tpu.concatenate %mul3A_166, %concatenate3A, %broadcast_in_dim3A_37 in 1 : vector<512x144xf32>, vector<512x48xf32>, vector<512x64xf32> -> vector<512x256xf32>
    %swap3A_168 = arith.constant 5 : index
    %swap3A_169 = arith.constant 0 : index
    %swap3A_170 = arith.constant 0 : index
    %swap3A_171 = vector.load %arg4[%swap3A_168, %swap3A_169, %swap3A_170] : memref<8x512x256xf32, #tpu.memory_space<vmem>>, vector<1x512x256xf32>
    %swap3A_172 = vector.shape_cast %swap3A_171 : vector<1x512x256xf32> to vector<512x256xf32>
    %swap3A_173 = vector.shape_cast %concatenate3A_167 : vector<512x256xf32> to vector<1x512x256xf32>
    tpu.vector_store %arg4[%swap3A_168, %swap3A_169, %swap3A_170], %swap3A_173 {strides = array<i32>} : memref<8x512x256xf32, #tpu.memory_space<vmem>>, vector<1x512x256xf32>,
    %get3A_174 = arith.constant 6 : index
    %get3A_175 = arith.constant 0 : index
    %get3A_176 = arith.constant 0 : index
    %get3A_177 = vector.load %arg2[%get3A_174, %get3A_175, %get3A_176] : memref<8x20x144xf32, #tpu.memory_space<vmem>>, vector<1x20x144xf32>
    %get3A_178 = vector.shape_cast %get3A_177 : vector<1x20x144xf32> to vector<20x144xf32>
    %dot_general3A_179 = arith.constant dense<0.000000e+00> : vector<512x144xf32>
    %dot_general3A_180 = tpu.matmul %div3A_23, %get3A_178, %dot_general3A_179 {dimension_numbers = #tpu.dot_dimension_numbers<[1], [0], [0], [1], [0, 0, 1, 1], [], []>, transpose_lhs_hint = false} : vector<512x20xf32>, vector<20x144xf32>, vector<512x144xf32> -> vector<512x144xf32>
    %get3A_181 = arith.constant 6 : index
    %get3A_182 = arith.constant 0 : index
    %get3A_183 = arith.constant 0 : index
    %get3A_184 = vector.load %arg3[%get3A_181, %get3A_182, %get3A_183] : memref<8x1x144xf32, #tpu.memory_space<vmem>>, vector<1x1x144xf32>
    %get3A_185 = vector.shape_cast %get3A_184 : vector<1x1x144xf32> to vector<1x144xf32>
    %add3A_186 = vector.broadcast %get3A_185 : vector<1x144xf32> to vector<512x144xf32>
    %add3A_187 = arith.addf %dot_general3A_180, %add3A_186 : vector<512x144xf32>
    %mul3A_188 = vector.broadcast %select_n3A : vector<512x1xf32> to vector<512x144xf32>
    %mul3A_189 = arith.mulf %add3A_187, %mul3A_188 : vector<512x144xf32>
    %concatenate3A_190 = tpu.concatenate %mul3A_189, %concatenate3A, %broadcast_in_dim3A_37 in 1 : vector<512x144xf32>, vector<512x48xf32>, vector<512x64xf32> -> vector<512x256xf32>
    %swap3A_191 = arith.constant 6 : index
    %swap3A_192 = arith.constant 0 : index
    %swap3A_193 = arith.constant 0 : index
    %swap3A_194 = vector.load %arg4[%swap3A_191, %swap3A_192, %swap3A_193] : memref<8x512x256xf32, #tpu.memory_space<vmem>>, vector<1x512x256xf32>
    %swap3A_195 = vector.shape_cast %swap3A_194 : vector<1x512x256xf32> to vector<512x256xf32>
    %swap3A_196 = vector.shape_cast %concatenate3A_190 : vector<512x256xf32> to vector<1x512x256xf32>
    tpu.vector_store %arg4[%swap3A_191, %swap3A_192, %swap3A_193], %swap3A_196 {strides = array<i32>} : memref<8x512x256xf32, #tpu.memory_space<vmem>>, vector<1x512x256xf32>,
    %get3A_197 = arith.constant 7 : index
    %get3A_198 = arith.constant 0 : index
    %get3A_199 = arith.constant 0 : index
    %get3A_200 = vector.load %arg2[%get3A_197, %get3A_198, %get3A_199] : memref<8x20x144xf32, #tpu.memory_space<vmem>>, vector<1x20x144xf32>
    %get3A_201 = vector.shape_cast %get3A_200 : vector<1x20x144xf32> to vector<20x144xf32>
    %dot_general3A_202 = arith.constant dense<0.000000e+00> : vector<512x144xf32>
    %dot_general3A_203 = tpu.matmul %div3A_23, %get3A_201, %dot_general3A_202 {dimension_numbers = #tpu.dot_dimension_numbers<[1], [0], [0], [1], [0, 0, 1, 1], [], []>, transpose_lhs_hint = false} : vector<512x20xf32>, vector<20x144xf32>, vector<512x144xf32> -> vector<512x144xf32>
    %get3A_204 = arith.constant 7 : index
    %get3A_205 = arith.constant 0 : index
    %get3A_206 = arith.constant 0 : index
    %get3A_207 = vector.load %arg3[%get3A_204, %get3A_205, %get3A_206] : memref<8x1x144xf32, #tpu.memory_space<vmem>>, vector<1x1x144xf32>
    %get3A_208 = vector.shape_cast %get3A_207 : vector<1x1x144xf32> to vector<1x144xf32>
    %add3A_209 = vector.broadcast %get3A_208 : vector<1x144xf32> to vector<512x144xf32>
    %add3A_210 = arith.addf %dot_general3A_203, %add3A_209 : vector<512x144xf32>
    %mul3A_211 = vector.broadcast %select_n3A : vector<512x1xf32> to vector<512x144xf32>
    %mul3A_212 = arith.mulf %add3A_210, %mul3A_211 : vector<512x144xf32>
    %concatenate3A_213 = tpu.concatenate %mul3A_212, %concatenate3A, %broadcast_in_dim3A_37 in 1 : vector<512x144xf32>, vector<512x48xf32>, vector<512x64xf32> -> vector<512x256xf32>
    %swap3A_214 = arith.constant 7 : index
    %swap3A_215 = arith.constant 0 : index
    %swap3A_216 = arith.constant 0 : index
    %swap3A_217 = vector.load %arg4[%swap3A_214, %swap3A_215, %swap3A_216] : memref<8x512x256xf32, #tpu.memory_space<vmem>>, vector<1x512x256xf32>
    %swap3A_218 = vector.shape_cast %swap3A_217 : vector<1x512x256xf32> to vector<512x256xf32>
    %swap3A_219 = vector.shape_cast %concatenate3A_213 : vector<512x256xf32> to vector<1x512x256xf32>
    tpu.vector_store %arg4[%swap3A_214, %swap3A_215, %swap3A_216], %swap3A_219 {strides = array<i32>} : memref<8x512x256xf32, #tpu.memory_space<vmem>>, vector<1x512x256xf32>,
    return
  }
  func.func @transform_0(%arg0: i32) -> (i32, i32) {
    %c0_i32 = arith.constant 0 : i32
    %c0_i32_0 = arith.constant 0 : i32
    return %arg0, %c0_i32 : i32, i32
  }
  func.func @transform_1(%arg0: i32) -> (i32, i32, i32) {
    %c0_i32 = arith.constant 0 : i32
    %c0_i32_0 = arith.constant 0 : i32
    %c0_i32_1 = arith.constant 0 : i32
    %c0_i32_2 = arith.constant 0 : i32
    return %c0_i32, %c0_i32_0, %c0_i32_1 : i32, i32, i32
  }
  func.func @transform_2(%arg0: i32) -> (i32, i32, i32) {
    %c0_i32 = arith.constant 0 : i32
    %c0_i32_0 = arith.constant 0 : i32
    %c0_i32_1 = arith.constant 0 : i32
    %c0_i32_2 = arith.constant 0 : i32
    return %c0_i32, %c0_i32_0, %c0_i32_1 : i32, i32, i32
  }
  func.func @transform_3(%arg0: i32) -> (i32, i32, i32) {
    %c0_i32 = arith.constant 0 : i32
    %c0_i32_0 = arith.constant 0 : i32
    %c0_i32_1 = arith.constant 0 : i32
    return %c0_i32, %arg0, %c0_i32_0 : i32, i32, i32
  }
}

</mosaic_0001>

<sc_bundles>
// kernel: kernel.5.cloned.1.call-start
scs
__scs_entry_jumppad:
0x0: {  	(pc) =	sbr.rel $0x88, $3  }
0x1: {  	(tag) =	ssettag $0x0;
	lr =	simm.s32 $0x1  }
0x2: {  	[smem:$0x3F95] =	sst lr;
	_ =	strace $0xD0000000  }
0x3: {  	_ = 	snop  }
0x4: {  	_ = 	snop  }
0x5: {  	_ = 	snop  }
0x6: {  	_ = 	snop  }
0x7: {  	_ = 	snop  }
__scs_overlays_trampoline_lowered:
0x8: {  	[smem:$0x3FA4] =	sst s0  }
0x9: {  	[smem:$0x3FA5] =	sst s1  }
0xa: {  	[smem:$0x3FA6] =	sst s2  }
0xb: {  	[smem:$0x3FA7] =	sst s3  }
0xc: {  	[smem:$0x3FA8] =	sst s4  }
0xd: {  	[smem:$0x3FA9] =	sst s5  }
0xe: {  	[smem:$0x3FAA] =	sst s6  }
0xf: {  	[smem:$0x3FAB] =	sst s7  }
0x10: {  	[smem:$0x3FAC] =	sst s8  }
0x11: {  	[smem:$0x3FAD] =	sst s9;
	s0 =	simm.s32 @!p0 $0x0  }
0x12: {  	s1 =	sld [smem:$0x3F93];
	s0 =	simm.s32 @p0 $0x1  }
0x13: {  	[smem:$0x3FAE] =	sst s0;
	s0 =	simm.s32 @!p1 $0x0  }
0x14: {  	s2 =	sld [smem:$0x3F92];
	s0 =	simm.s32 @p1 $0x1  }
0x15: {  	[smem:$0x3FAF] =	sst s0;
	s0 =	simm.s32 @!p2 $0x0  }
0x16: {  	s3 =	sld [smem:$0x3FDB];
	s0 =	simm.s32 @p2 $0x1  }
0x17: {  	s4 =	simm.s32 $0x1BF5;
	[smem:$0x3FB1] =	sst s0  }
0x18: {  	s0 =	sld [smem:$0x3F94];
	_ =	swait.ge [sflag:s4], $0x0  }
0x19: {  	s7 =	sld [smem:$0x3F95]  }
0x1a: {  	s8 =	sadd.s32 $0xFFFFE003, lr  }
0x1b: {  	s9 =	sadd.s32 $0xFFFFFEF7, lr;
	s5 =	simm.s32 $0xFFFFFFFF;
	p2 =	slt.u32 s8, $0xFFFFF086  }
0x1c: {  	p1 =	slt.u32 s9, $0xF7A;
	s5 =	simm.s32 @!p2 $0x0  }
0x1d: {  	s5 =	simm.s32 @p1 $0x1;
	p0 =	seq.s32 s7, s2  }
0x1e: {  	s7 =	smul.u32 @!p0 $0xF7A, s2;
	p2 =	seq.s32 @!p0 s5, $0x0  }
0x1f: {  	s9 =	smul.u32 $0xF7A, s1;
	s8 =	simm.s32 @!p0 $0x1BF5;
	p2 =	por !p2, p0  }
0x20: {  	[sflag:s8] =	ssyncset.s32 @!p0 $0xFFFFF086;
	s6 =	sadd.s32 @!p0 s3, s7;
	s7 =	simm.s32 @!p0 $0x108  }
0x21: {  	s3 =	sadd.s32 s3, s9;
	s6 =	sadd.s32 @!p0 $0x88, s6;
	s7 =	simm.s32 @p2 $0x1082  }
0x22: {  	[simem:s7], [sflag:s8] =	dma.local @!p0 [hbm:s6], $0xF7A  }
0x23: {  	s9 =	sor.u32 $0xD0000000, s2;
	s6 =	simm.s32 $0x108;
	_ =	swait.ge @!p0 [sflag:s8], $0x0  }
0x24: {  	s3 =	sadd.s32 $0x88, s3;
	s6 =	simm.s32 @!p1 $0x1082;
	[sflag:s4] =	ssyncset.s32 $0xFFFFF086  }
0x25: {  	[simem:s6], [sflag:s4] =	dma.local [hbm:s3], $0xF7A  }
0x26: {  	[smem:$0x3F95] =	sst s1;
	(tag) =	ssettag s2;
	_ =	strace s9  }
0x27: {  	s1 =	sld [smem:$0x3FA5]  }
0x28: {  	s2 =	sld [smem:$0x3FA6]  }
0x29: {  	s4 =	sld [smem:$0x3FA8]  }
0x2a: {  	p0 =	seq.s32 s5, $0x0;
	s5 =	sld [smem:$0x3FA9]  }
0x2b: {  	s6 =	sld [smem:$0x3FAA]  }
0x2c: {  	s7 =	sld [smem:$0x3FAB]  }
0x2d: {  	s3 =	simm.s32 $0x108;
	s8 =	sld [smem:$0x3FAC]  }
0x2e: {  	s3 =	simm.s32 @!p0 $0x1082;
	s9 =	sld [smem:$0x3FAD]  }
0x2f: {  	lr =	sadd.s32 s0, s3;
	s0 =	sld [smem:$0x3FA4]  }
0x30: {  	s3 =	sld [smem:$0x3FA7]  }
0x31: {  	[smem:$0x3FB0] =	sst s10  }
0x32: {  	s10 =	sld [smem:$0x3FAE];
	_ =	sdelay $0x3  }
0x33: {  	p0 =	seq.s32 s10, $0x1;
	s10 =	sld [smem:$0x3FB0];
	_ =	sdelay $0x3  }
0x34: {  	[smem:$0x3FB0] =	sst s10  }
0x35: {  	s10 =	sld [smem:$0x3FAF];
	_ =	sdelay $0x3  }
0x36: {  	p1 =	seq.s32 s10, $0x1;
	s10 =	sld [smem:$0x3FB0];
	_ =	sdelay $0x3  }
0x37: {  	[smem:$0x3FB0] =	sst s10  }
0x38: {  	s10 =	sld [smem:$0x3FB1]  }
0x39: {  	_ = 	snop;
	(pc) =	sbr.ind lr, $3  }
0x3a: {  	_ = 	snop  }
0x3b: {  	_ = 	snop  }
0x3c: {  	p2 =	seq.s32 s10, $0x1;
	s10 =	sld [smem:$0x3FB0]  }
0x3d: {  	_ =	shalt  }
0x3e: {  	_ =	shalt  }
0x3f: {  	_ =	shalt  }
0x40: {  	_ =	shalt  }
0x41: {  	_ =	shalt  }
0x42: {  	_ =	shalt  }
0x43: {  	_ =	shalt  }
0x44: {  	_ =	shalt  }
0x45: {  	_ =	shalt  }
0x46: {  	_ =	shalt  }
0x47: {  	_ =	shalt  }
0x48: {  	_ =	shalt  }
0x49: {  	_ =	shalt  }
0x4a: {  	_ =	shalt  }
0x4b: {  	_ =	shalt  }
0x4c: {  	_ =	shalt  }
0x4d: {  	_ =	shalt  }
0x4e: {  	_ =	shalt  }
0x4f: {  	_ =	shalt  }
0x50: {  	_ =	shalt  }
0x51: {  	_ =	shalt  }
0x52: {  	_ =	shalt  }
0x53: {  	_ =	shalt  }
0x54: {  	_ =	shalt  }
0x55: {  	_ =	shalt  }
0x56: {  	_ =	shalt  }
0x57: {  	_ =	shalt  }
0x58: {  	_ =	shalt  }
0x59: {  	_ =	shalt  }
0x5a: {  	_ =	shalt  }
0x5b: {  	_ =	shalt  }
0x5c: {  	_ =	shalt  }
0x5d: {  	_ =	shalt  }
0x5e: {  	_ =	shalt  }
0x5f: {  	_ =	shalt  }
0x60: {  	_ =	shalt  }
0x61: {  	_ =	shalt  }
0x62: {  	_ =	shalt  }
0x63: {  	_ =	shalt  }
0x64: {  	_ =	shalt  }
0x65: {  	_ =	shalt  }
0x66: {  	_ =	shalt  }
0x67: {  	_ =	shalt  }
0x68: {  	_ =	shalt  }
0x69: {  	_ =	shalt  }
0x6a: {  	_ =	shalt  }
0x6b: {  	_ =	shalt  }
0x6c: {  	_ =	shalt  }
0x6d: {  	_ =	shalt  }
0x6e: {  	_ =	shalt  }
0x6f: {  	_ =	shalt  }
0x70: {  	_ =	shalt  }
0x71: {  	_ =	shalt  }
0x72: {  	_ =	shalt  }
0x73: {  	_ =	shalt  }
0x74: {  	_ =	shalt  }
0x75: {  	_ =	shalt  }
0x76: {  	_ =	shalt  }
0x77: {  	_ =	shalt  }
0x78: {  	_ =	shalt  }
0x79: {  	_ =	shalt  }
0x7a: {  	_ =	shalt  }
0x7b: {  	_ =	shalt  }
0x7c: {  	_ =	shalt  }
0x7d: {  	_ =	shalt  }
0x7e: {  	_ =	shalt  }
0x7f: {  	_ =	shalt  }
0x80: {  	_ =	shalt  }
0x81: {  	_ =	shalt  }
0x82: {  	_ =	shalt  }
0x83: {  	_ =	shalt  }
0x84: {  	_ =	shalt  }
0x85: {  	_ =	shalt  }
0x86: {  	_ =	shalt  }
0x87: {  	_ =	shalt  }
.Lfunc_end0:
.L_simem_size_0:
called_computation_lowered:
.L_overlay_start_0:
0x88: {  	s2 =	sld [smem:$0x3FD9]  }
0x89: {  	s3 =	sld [smem:$0x3FFE];
	_ =	sdelay $0x1  }
0x8a: {  	s1 =	srdreg.scid  }
0x8b: {  	s0 =	sand.u32 $0x1, s1  }
0x8c: {  	s14 =	sshll.u32 s0, $0xA;
	s2 =	sadd.s32 s3, s2  }
0x8d: {  	s2 =	sadd.s32 s2, s14  }
0x8e: {  	[smem:$0x3FBC] =	sst s2  }
0x8f: {  	_ = 	snop  }
0x90: {  	s2 =	sld [smem:$0x3FD0];
	_ =	sdelay $0x2  }
0x91: {  	s15 =	simm.s32 $0xA;
	s4 =	simm.s32 $0x10  }
0x92: {  	[smem:s4], [sflag:s15] =	dma.local [hbm:s2], $0x1  }
0x93: {  	_ =	swait.eq [sflag:s15], $0x1  }
0x94: {  	s16 =	sld [smem:$0x10]  }
0x95: {  	s17 =	sld [smem:$0x11];
	[sflag:s15] =	ssyncset.done $0x0  }
0x96: {  	s5 =	sld [smem:$0x12];
	[sflag:s15] =	ssyncadd.s32 $0xFFFFFFFF  }
0x97: {  	s18 =	sld [smem:$0x13];
	(tm) =	ssettm $0x1  }
0x98: {  	s6 =	sld [smem:$0x3FFB];
	_ =	sdelay $0x3  }
0x99: {  	_ =	strace s6  }
0x9a: {  	s6 =	sld [smem:$0x3FFC];
	_ =	sdelay $0x3  }
0x9b: {  	_ =	strace s6  }
0x9c: {  	s6 =	sld [smem:$0x3FFD];
	_ =	sdelay $0x3  }
0x9d: {  	_ =	strace s6  }
0x9e: {  	_ =	strace $0x8FFFFFFF  }
0x9f: {  	s19 =	sld [smem:$0x3FDB];
	_ =	sdelay $0x1  }
0xa0: {  	s7 =	simm.s32 $_scs_section_size  }
0xa1: {  	s8 =	simm.s32 $_size__tile_overlayer_lowered;
	s9 =	simm.s32 $_tile_overlayer_lowered  }
0xa2: {  	s22 =	simm.s32 $0x1BFF;
	s21 =	sshll.u32 s9, $0x1;
	s6 =	sadd.s32 s7, s19  }
0xa3: {  	s10 =	simm.s32 $0x0;
	s20 =	sshll.u32 s8, $0x1;
	s8 =	sadd.s32 s21, s6  }
0xa4: {  	[timem:s10], [sflag:s22] =	dma.local [hbm:s8], s20  }
0xa5: {  	_ =	swait.ge [sflag:s22], s20  }
0xa6: {  	s7 =	ssub.s32 $0x0, s20;
	[sflag:s22] =	ssyncset.done $0x0  }
0xa7: {  	[sflag:s22] =	ssyncadd.s32 s7;
	_ =	sdelay $0x1  }
0xa8: {  	s23 =	simm.s32 $0x1B8B  }
0xa9: {  	_ =	swait.ge [sflag:s23], $0x1  }
0xaa: {  	[sflag:s23] =	ssyncset.done $0x0  }
0xab: {  	s25 =	simm.s32 $0x1B8E;
	s24 =	sld [smem:$0x3FFE];
	[sflag:s23] =	ssyncadd.s32 $0xFFFFFFFF  }
0xac: {  	s26 =	simm.s32 $execute0_lowered;
	[smem:$0x3FD2] =	sst s25  }
0xad: {  	s8 =	sshll.u32 s26, $0x1;
	_ =	strace $0x80000046;
	[dreg:$0x1] =	wrdreg $0xFFFFFFFF  }
0xae: {  	s28 =	simm.s32 $_size_execute0_lowered;
	s6 =	sadd.s32 s6, s8;
	[dreg:$0x0] =	wrdreg $0x0  }
0xaf: {  	s8 =	sshll.u32 s28, $0x1;
	[dreg:$0x2] =	wrdreg s6  }
0xb0: {  	[dreg:$0x3] =	wrdreg s8  }
0xb1: {  	[dreg:$0x4] =	wrdreg $0xC0  }
0xb2: {  	_ =	task [dreg:s10], $0x5FFFF  }
0xb3: {  	[dreg:$0x1] =	wrdreg $0xFFFFFFFF  }
0xb4: {  	[dreg:$0x0] =	wrdreg $0x60  }
0xb5: {  	[dreg:$0x2] =	wrdreg s24  }
0xb6: {  	[dreg:$0x3] =	wrdreg s17  }
0xb7: {  	[dreg:$0x4] =	wrdreg s16  }
0xb8: {  	[dreg:$0x5] =	wrdreg s5  }
0xb9: {  	[dreg:$0x6] =	wrdreg s18  }
0xba: {  	[dreg:$0x7] =	wrdreg $0xAA800  }
0xbb: {  	[dreg:$0x8] =	wrdreg $0x9  }
0xbc: {  	_ =	task.clear_ibuf [dreg:s10], $0x9FFFF;
	_ =	strace $0x90000046  }
0xbd: {  	s29 =	simm.s32 $0x9;
	_ =	strace $0x80000048  }
0xbe: {  	_ =	swait.ge [sflag:s29], $0x1  }
0xbf: {  	[sflag:s29] =	ssyncadd.s32 $0xFFFFFFFF  }
0xc0: {  	_ =	strace $0x90000048  }
0xc1: {  	_ =	sfence  }
0xc2: {  	s30 =	sld [smem:$0x0];
	_ =	sdelay $0x2  }
0xc3: {  	s31 =	sshll.u32 s1, $0xD;
	s1 =	sshrl.u32 s1, $0x2  }
0xc4: {  	s3 =	sand.u32 $0x4000, s31;
	s1 =	sadd.s32 s1, s30  }
0xc5: {  	s0 =	sor.u32 s3, s0;
	s1 =	sshll.u32 s1, $0x11  }
0xc6: {  	s0 =	sor.u32 s1, s0  }
0xc7: {  	s0 =	sadd.s32 $0x8F2B, s0  }
0xc8: {  	[sflag:s0] =	ssyncadd.remote.s32 $0x1  }
0xc9: {  	_ =	sfence.sel $0xFFFF  }
0xca: {  	[dreg:$0x0] =	wrdreg $0xFFFFFFFF;
	(pc) =	sbr.abs _section_cstart, $3  }
0xcb: {  	[dreg:$0x1] =	wrdreg $0xFFFFFFFF  }
0xcc: {  	_ =	task.clear_ibuf [dreg:s10], $0x2FFFF;
	_ =	strace $0x9FFFFFFF  }
0xcd: {  	(tm) =	ssettm $0x7FFFFFFF  }
tec
execute0_lowered:
.L_overlay_start_1:
0x0: {  	(tag) =	ssettag $0x1  }
0x1: {  	s0 =	rddreg [dreg:$0x0]  }
0x2: {  	s1 =	rddreg [dreg:$0x4]  }
0x3: {  	s13 =	rddreg [dreg:$0x5];
	s14 =	simm.s32 $0x0  }
0x4: {  	s2 =	srdreg.scid;
	s15 =	stileid.u32;
	s18 =	simm.s32 $0x2  }
0x5: {  	s20 =	simm.s32 $0xA880;
	s21 =	simm.s32 $0xAA00;
	s28 =	simm.s32 $0x2000  }
0x6: {  	s29 =	simm.s32 $0x2800;
	s31 =	simm.s32 $0xA900;
	s16 =	simm.s32 $0x7800  }
0x7: {  	s30 =	simm.s32 $0x30;
	s6 =	sadd.s32 $0x5E3400, s0;
	s8 =	sadd.s32 $0xAD9400, s0  }
0x8: {  	[smem:$0x7FF] =	sst s14;
	s9 =	sadd.s32 $0x99BC00, s0;
	s5 =	smul.u32 $0x4F000, s15  }
0x9: {  	s10 =	sadd.s32 $0x863400, s0;
	s2 =	sand.u32 $0x1, s2;
	s11 =	smul.u32 $0x13C00, s15  }
0xa: {  	s0 =	sadd.s32 $0x5200, s0;
	s25 =	sshll.u32 s15, $0x6;
	_ =	strace $0x80000047  }
0xb: {  	s3 =	ssub.s32 $0x2, s2;
	s4 =	sshll.u32 s2, $0x4;
	[dreg:$0x8] =	wrdreg s0  }
0xc: {  	s2 =	smul.u32 $0x9E0000, s2;
	s7 =	sshrl.u32 s3, $0x1;
	s4 =	sor.u32 s15, s4  }
0xd: {  	s23 =	sshrl.u32 s5, $0x2;
	s24 =	sshrl.u32 s11, $0x3;
	s5 =	simm.s32 $0x9000  }
0xe: {  	s15 =	simm.s32 $0x0;
	s22 =	ssub.s32 s3, s7;
	s12 =	smul.u32 $0x13B0, s4  }
0xf: {  	s3 =	sadd.s32 s23, s13;
	s1 =	sadd.s32 s1, s24;
	s4 =	sor.u32 $0x1C02, s25  }
0x10: {  	s26 =	sadd.s32 s2, s11;
	s23 =	simm.s32 $0x1;
	[dreg:$0x9] =	wrdreg s1  }
0x11: {  	s24 =	simm.s32 $0x800;
	s25 =	simm.s32 $0x1000;
	[dreg:$0xb] =	wrdreg s26  }
0x12: {  	v2 =	vlaneseq.u32;
	s7 =	simm.s32 $0xA980;
	s0 =	smax.u32 s22, $0x1;
	[dreg:$0xa] =	wrdreg s4  }
0x13: {  	vm0 =	vmmov $0xffff;
	v1 =	vshrl.u32 v2, $0x3;
	s2 =	sshrl.u32 s3, $0x3;
	s22 =	simm.s32 $0x3000;
	[dreg:$0xc] =	wrdreg s0  }
0x14: {  	v0 =	vand.u32 $0x7, v2;
	v2 =	vor.u32 $0x8, v2;
	v1 =	vmul.u32 $0x8, v1;
	s26 =	simm.s32 $0x1800;
	s0 =	simm.s32 $0x6000;
	[dreg:$0xd] =	wrdreg s2  }
.LBB2_1:
0x15: {  	[dreg:$0x7] =	wrdreg s14;
	s3 =	simm.s32 $0x0  }
.LBB2_2:
0x16: {  	s1 =	rddreg [dreg:$0x9]  }
0x17: {  	[spmem:s2], [sflag:s4] =	dma.local [hbm:s1], $0x2780  }
0x18: {  	_ =	swait.ge [sflag:s18], $0x2780  }
0x19: {  	[sflag:s18] =	ssyncset.done $0x0  }
0x1a: {  	[sflag:s18] =	ssyncadd.s32 $0xFFFFD880  }
0x1b: {  	[bflag:$0x0] =	sbarrier.arrive $0xFFFF  }
0x1c: {  	s13 =	smul.u32 $0x2760000, s3;
	v3 =	vmov s3;
	s14 =	simm.s32 $0x0;
	[dreg:$0xe] =	wrdreg s3  }
.LBB2_3:
0x1d: {  	s1 =	smul.u32 $0x30, s14;
	_ =	sdelay $0x1  }
0x1e: {  	s1 =	sadd.s32 s12, s1  }
0x1f: {  	s3 =	rddreg [dreg:$0x1];
	s4 =	simm.s32 $0xA800;
	s2 =	sshrl.u32 s1, $0x3  }
0x20: {  	s17 =	rddreg [dreg:$0x2];
	s1 =	sshll.u32 s1, $0x8;
	s3 =	sadd.s32 s3, s2  }
0x21: {  	[tilespmem:s4], [sflag:$0x1] =	stream.linear.gather [hbm4b:s3+s15], $0x30, $0x38;
	[tilespmem:$0x1E680] =	vst v63  }
0x22: {  	s19 =	rddreg [dreg:$0x3];
	s1 =	sadd.s32 s13, s1;
	s3 =	sadd.s32 s17, s2  }
0x23: {  	[tilespmem:s20], [sflag:$0x1] =	stream.linear.gather [hbm4b:s3+s15], $0x30, $0x38;
	[tilespmem:$0x1E680] =	vst v63  }
0x24: {  	s2 =	sadd.s32 s19, s2;
	s1 =	sshrl.u32 s1, $0x3  }
0x25: {  	[tilespmem:s21], [sflag:$0x1] =	stream.linear.gather [hbm4b:s2+s15], $0x30, $0x38;
	[tilespmem:$0x1E680] =	vst v63  }
0x26: {  	s1 =	sadd.s32 s8, s1  }
0x27: {  	[tilespmem:s22], [sflag:$0x1] =	stream.linear.gather [hbm4b:s1+s15], $0x3000, $0x38;
	[tilespmem:$0x1E680] =	vst v63  }
0x28: {  	_ =	swait.ge [sflag:s23], $0x30  }
0x29: {  	[sflag:s23] =	ssyncset.done $0x0  }
0x2a: {  	[sflag:s23] =	ssyncadd.s32 $0xFFFFFFD0  }
0x2b: {  	_ =	swait.ge [sflag:s23], $0x30  }
0x2c: {  	[sflag:s23] =	ssyncset.done $0x0  }
0x2d: {  	[sflag:s23] =	ssyncadd.s32 $0xFFFFFFD0  }
0x2e: {  	_ =	swait.ge [sflag:s23], $0x30  }
0x2f: {  	[sflag:s23] =	ssyncset.done $0x0  }
0x30: {  	[sflag:s23] =	ssyncadd.s32 $0xFFFFFFD0  }
0x31: {  	v4 =	vld [tilespmem:$0xA880];
	_ =	sdelay $0x4  }
0x32: {  	v4 =	vadd.s32 v3, v4  }
0x33: {  	[tilespmem:$0xA980] =	vst v4  }
0x34: {  	v4 =	vld [tilespmem:$0xA980];
	_ =	sdelay $0x3  }
0x35: {  	v5 =	vld [tilespmem:$0xA800]  }
0x36: {  	v6 =	vld [tilespmem:$0xA810];
	v7 =	vshll.u32 v4, $0x1  }
0x37: {  	v8 =	vld [tilespmem:$0xA890];
	v4 =	vand.u32 $0x7, v4;
	v7 =	vand.u32 $0xFFFFFFF0, v7  }
0x38: {  	v9 =	vld [tilespmem:$0xA820];
	v4 =	vor.u32 v4, v7  }
0x39: {  	v62 =	vld [tilespmem:$0xA8A0];
	v10 =	vperm.xlane v4, v0  }
0x3a: {  	v5 =	vadd.s32 v3, v5  }
0x3b: {  	[tilespmem:$0xA900] =	vst v5;
	v5 =	vadd.s32 v3, v6;
	v4 =	vperm.xlane v4, v2;
	v63 =	vadd.s32 v1, v10  }
0x3c: {  	[tilespmem:$0xA910] =	vst v5;
	v5 =	vadd.s32 v3, v8  }
0x3d: {  	[tilespmem:$0xA990] =	vst v5;
	v5 =	vadd.s32 v3, v9;
	v4 =	vadd.s32 v1, v4  }
0x3e: {  	[tilespmem:$0xA920] =	vst v5;
	v5 =	vadd.s32 v3, v62  }
0x3f: {  	[tilespmem:$0xA9A0] =	vst v5  }
0x40: {  	[tilespmem:s15], [sflag:$0x1] =	stream.indirect_vreg.gather [hbm4b:s6+s15], $0x80, v63, vm0, $0xb8;
	[tilespmem:$0x1E680] =	vst v63  }
0x41: {  	_ = 	snop  }
0x42: {  	[tilespmem:s24], [sflag:$0x1] =	stream.indirect_vreg.gather [hbm4b:s6+s15], $0x80, v4, vm0, $0xb8;
	[tilespmem:$0x1E680] =	vst v63  }
0x43: {  	v4 =	vld [tilespmem:$0xA990];
	_ =	sdelay $0x4  }
0x44: {  	v5 =	vshll.u32 v4, $0x1  }
0x45: {  	v4 =	vand.u32 $0x7, v4;
	v5 =	vand.u32 $0xFFFFFFF0, v5  }
0x46: {  	v4 =	vor.u32 v4, v5  }
0x47: {  	v5 =	vperm.xlane v4, v0;
	_ =	sdelay $0x1  }
0x48: {  	v4 =	vperm.xlane v4, v2;
	v5 =	vadd.s32 v1, v5;
	_ =	sdelay $0x1  }
0x49: {  	v4 =	vadd.s32 v1, v4;
	_ =	sdelay $0x2  }
0x4a: {  	[tilespmem:s25], [sflag:$0x1] =	stream.indirect_vreg.gather [hbm4b:s6+s15], $0x80, v5, vm0, $0xb8;
	[tilespmem:$0x1E680] =	vst v63  }
0x4b: {  	_ = 	snop  }
0x4c: {  	[tilespmem:s26], [sflag:$0x1] =	stream.indirect_vreg.gather [hbm4b:s6+s15], $0x80, v4, vm0, $0xb8;
	[tilespmem:$0x1E680] =	vst v63  }
0x4d: {  	v4 =	vld [tilespmem:$0xA9A0];
	_ =	sdelay $0x4  }
0x4e: {  	v5 =	vshll.u32 v4, $0x1  }
0x4f: {  	v4 =	vand.u32 $0x7, v4;
	v5 =	vand.u32 $0xFFFFFFF0, v5  }
0x50: {  	v4 =	vor.u32 v4, v5  }
0x51: {  	v5 =	vperm.xlane v4, v0;
	_ =	sdelay $0x1  }
0x52: {  	v4 =	vperm.xlane v4, v2;
	v5 =	vadd.s32 v1, v5;
	_ =	sdelay $0x1  }
0x53: {  	v4 =	vadd.s32 v1, v4;
	_ =	sdelay $0x2  }
0x54: {  	[tilespmem:s28], [sflag:$0x1] =	stream.indirect_vreg.gather [hbm4b:s6+s15], $0x80, v5, vm0, $0xb8;
	[tilespmem:$0x1E680] =	vst v63  }
0x55: {  	_ = 	snop  }
0x56: {  	[tilespmem:s29], [sflag:$0x1] =	stream.indirect_vreg.gather [hbm4b:s6+s15], $0x80, v4, vm0, $0xb8;
	[tilespmem:$0x1E680] =	vst v63  }
0x57: {  	_ = 	snop  }
0x58: {  	[tilespmem:s0], [sflag:$0x1] =	stream.indirect.gather [hbm4b:s9+s30], $0x80, s31, s30, $0xb8;
	[tilespmem:$0x1E680] =	vst v63  }
0x59: {  	_ = 	snop  }
0x5a: {  	[tilespmem:s16], [sflag:$0x1] =	stream.indirect.gather [hbm4b:s10+s30], $0x80, s7, s30, $0xb8;
	[tilespmem:$0x1E680] =	vst v63  }
0x5b: {  	_ =	swait.ge [sflag:s23], $0x3000  }
0x5c: {  	[sflag:s23] =	ssyncset.done $0x0  }
0x5d: {  	[sflag:s23] =	ssyncadd.s32 $0xFFFFD000  }
0x5e: {  	_ =	swait.ge [sflag:s23], $0x3000  }
0x5f: {  	[sflag:s23] =	ssyncset.done $0x0  }
0x60: {  	[sflag:s23] =	ssyncadd.s32 $0xFFFFD000  }
0x61: {  	_ =	swait.ge [sflag:s23], $0x1800  }
0x62: {  	[sflag:s23] =	ssyncset.done $0x0  }
0x63: {  	[sflag:s23] =	ssyncadd.s32 $0xFFFFE800  }
0x64: {  	s11 =	simm.s32 $0x6040;
	_ =	swait.ge [sflag:s23], $0x1800  }
0x65: {  	s17 =	simm.s32 $0x9040;
	s3 =	simm.s32 $0x0;
	[sflag:s23] =	ssyncset.done $0x0  }
0x66: {  	s2 =	simm.s32 $0x0;
	s1 =	simm.s32 $0x7830;
	[sflag:s23] =	ssyncadd.s32 $0xFFFFE800  }
.LBB2_4:
0x67: {  	v22 =	vld [tilespmem:s11+$0xFFFFFFC0]  }
0x68: {  	v23 =	vld [tilespmem:s11+$0xFFFFFFE0]  }
0x69: {  	v24 =	vld [tilespmem:s11+$0xFFFFFFF0]  }
0x6a: {  	v25 =	vld [tilespmem:s1+$0x0]  }
0x6b: {  	v26 =	vld [tilespmem:s1+$0x10]  }
0x6c: {  	v27 =	vld [tilespmem:s11+$0x0]  }
0x6d: {  	v28 =	vld [tilespmem:s1+$0x20]  }
0x6e: {  	v29 =	vld [tilespmem:s11+$0xFFFFFFD0]  }
0x6f: {  	v30 =	vld [tilespmem:s11+$0x10]  }
0x70: {  	v31 =	vld [tilespmem:s11+$0x20]  }
0x71: {  	s4 =	sand.u32 $0x3800, s3;
	s19 =	sand.u32 $0x380, s2;
	v34 =	vld [tilespmem:s1+$0xFFFFFFD0]  }
0x72: {  	v57 =	vld [tilespmem:s1+$0xFFFFFFE0];
	s4 =	sor.u32 s19, s4  }
0x73: {  	v4 =	vld [tilespmem:s4+$0x0]  }
0x74: {  	v5 =	vld [tilespmem:s4+$0x3000]  }
0x75: {  	v6 =	vld [tilespmem:s4+$0x10]  }
0x76: {  	v7 =	vld [tilespmem:s4+$0x3010]  }
0x77: {  	v8 =	vld [tilespmem:s4+$0x20]  }
0x78: {  	v9 =	vld [tilespmem:s4+$0x3020]  }
0x79: {  	v10 =	vld [tilespmem:s4+$0x30]  }
0x7a: {  	v11 =	vld [tilespmem:s4+$0x3030]  }
0x7b: {  	v12 =	vld [tilespmem:s4+$0x40]  }
0x7c: {  	v13 =	vld [tilespmem:s4+$0x3040]  }
0x7d: {  	v14 =	vld [tilespmem:s4+$0x50]  }
0x7e: {  	v15 =	vld [tilespmem:s4+$0x3050]  }
0x7f: {  	v16 =	vld [tilespmem:s4+$0x60]  }
0x80: {  	v17 =	vld [tilespmem:s4+$0x3060]  }
0x81: {  	v18 =	vld [tilespmem:s4+$0x70];
	v32 =	vmul.f32 v25, v23;
	v33 =	vmul.f32 v26, v24  }
0x82: {  	v19 =	vld [tilespmem:s4+$0x3070];
	v4 =	vmul.f32 v5, v4  }
0x83: {  	v20 =	vld [tilespmem:s4+$0x400];
	v56 =	vmul.f32 v28, v27;
	v32 =	vadd.f32 v33, v32  }
0x84: {  	v21 =	vld [tilespmem:s4+$0x3400];
	v61 =	vmul.f32 v28, v24;
	v4 =	vmul.f32 v22, v4  }
0x85: {  	v62 =	vmul.f32 v26, v27;
	v6 =	vmul.f32 v7, v6;
	v58 =	vadd.f32 v56, v32;
	v32 =	vld [tilespmem:s1+$0xFFFFFFF0]  }
0x86: {  	v5 =	vld [tilespmem:s11+$0x30];
	v8 =	vmul.f32 v9, v8;
	v59 =	vmul.f32 v17, v16;
	[tilespmem:s17+$0xFFFFFFC0] =	vst v4  }
0x87: {  	v9 =	vmul.f32 v11, v10;
	v10 =	vmul.f32 v15, v14;
	[tilespmem:s17+$0xFFFFFFD0] =	vst v58  }
0x88: {  	v11 =	vmul.f32 v19, v18;
	v7 =	vmul.f32 v29, v59;
	v60 =	vld [tilespmem:s4+$0x3410]  }
0x89: {  	v4 =	vmul.f32 v13, v12;
	v13 =	vmul.f32 v21, v20  }
0x8a: {  	v21 =	vmul.f32 v57, v27;
	v63 =	vmul.f32 v32, v24  }
0x8b: {  	v33 =	vmul.f32 v28, v31;
	v37 =	vmul.f32 v25, v10  }
0x8c: {  	v38 =	vmul.f32 v34, v7;
	v35 =	vmul.f32 v26, v5;
	v16 =	vsub.f32 v63, v21  }
0x8d: {  	v14 =	vsub.f32 v61, v62;
	v36 =	vmul.f32 v34, v8;
	v12 =	vmul.f32 v60, v6  }
0x8e: {  	v17 =	vadd.f32 v37, v38;
	v39 =	vsub.f32 v33, v35;
	v16 =	vmul.f32 v16, v11  }
0x8f: {  	v14 =	vmul.f32 v14, v9;
	v4 =	vmul.f32 v29, v4;
	v12 =	vadd.f32 v12, v36  }
0x90: {  	v15 =	vmul.f32 v39, v13;
	v16 =	vadd.f32 v16, v17  }
0x91: {  	v40 =	vmul.f32 v25, v4;
	v12 =	vadd.f32 v12, v14  }
0x92: {  	v41 =	vadd.f32 v15, v16  }
0x93: {  	v12 =	vadd.f32 v12, v40  }
0x94: {  	[tilespmem:s17+$0x10] =	vst v41  }
0x95: {  	[tilespmem:s17+$0xFFFFFFE0] =	vst v12  }
0x96: {  	v12 =	vld [tilespmem:s4+$0x3420]  }
0x97: {  	v42 =	vmul.f32 v25, v27;
	v43 =	vmul.f32 v28, v23  }
0x98: {  	v44 =	vmul.f32 v34, v27;
	v45 =	vmul.f32 v32, v23  }
0x99: {  	v46 =	vmul.f32 v28, v30;
	v48 =	vmul.f32 v26, v10  }
0x9a: {  	v49 =	vmul.f32 v57, v7;
	v5 =	vmul.f32 v25, v5;
	v16 =	vsub.f32 v44, v45  }
0x9b: {  	v47 =	vmul.f32 v57, v8;
	v14 =	vsub.f32 v42, v43;
	v12 =	vmul.f32 v12, v6  }
0x9c: {  	v50 =	vadd.f32 v48, v49;
	v5 =	vsub.f32 v5, v46;
	v16 =	vmul.f32 v16, v11  }
0x9d: {  	v14 =	vmul.f32 v14, v9;
	v12 =	vadd.f32 v12, v47  }
0x9e: {  	v5 =	vmul.f32 v5, v13;
	v15 =	vadd.f32 v50, v16  }
0x9f: {  	v51 =	vmul.f32 v26, v4;
	v12 =	vadd.f32 v12, v14  }
0xa0: {  	v5 =	vadd.f32 v5, v15  }
0xa1: {  	v12 =	vadd.f32 v12, v51  }
0xa2: {  	[tilespmem:s17+$0x20] =	vst v5  }
0xa3: {  	[tilespmem:s17+$0xFFFFFFF0] =	vst v12  }
0xa4: {  	v5 =	vld [tilespmem:s4+$0x3430];
	_ =	sdelay $0x1  }
0xa5: {  	v52 =	vmul.f32 v26, v23;
	v53 =	vmul.f32 v25, v24  }
0xa6: {  	v54 =	vmul.f32 v57, v23;
	v55 =	vmul.f32 v34, v24  }
0xa7: {  	v56 =	vmul.f32 v26, v30;
	v10 =	vmul.f32 v28, v10  }
0xa8: {  	v58 =	vmul.f32 v32, v8;
	v12 =	vsub.f32 v52, v53;
	v5 =	vmul.f32 v5, v6  }
0xa9: {  	v59 =	vsub.f32 v54, v55;
	v57 =	vmul.f32 v25, v31;
	v7 =	vmul.f32 v32, v7  }
0xaa: {  	v60 =	vmul.f32 v12, v9;
	v5 =	vadd.f32 v5, v58  }
0xab: {  	v61 =	vsub.f32 v56, v57;
	v8 =	vmul.f32 v59, v11;
	v7 =	vadd.f32 v10, v7  }
0xac: {  	p0 =	sne.s32 s3, $0x2F00;
	v4 =	vmul.f32 v28, v4;
	v5 =	vadd.f32 v5, v60  }
.Ltmp0:
0xad: {  	v63 =	vmul.f32 v61, v13;
	v62 =	vadd.f32 v7, v8;
	(pc) =	sbr.rel @p0 .LBB2_4-.Ltmp0, $4  }
0xae: {  	v4 =	vadd.f32 v5, v4  }
0xaf: {  	v5 =	vadd.f32 v62, v63  }
0xb0: {  	s2 =	sadd.s32 $0x80, s2;
	s3 =	sadd.s32 $0x100, s3;
	[tilespmem:s17+$0x0] =	vst v4  }
0xb1: {  	s11 =	sadd.s32 $0x80, s11;
	s1 =	sadd.s32 $0x80, s1;
	[tilespmem:s17+$0x30] =	vst v5;
	s17 =	sadd.s32 $0x80, s17  }
0xb2: {  	s14 =	sadd.s32 $0x1, s14  }
0xb3: {  	p0 =	sne.s32 s14, $0x69  }
.Ltmp1:
0xb4: {  	s1 =	rddreg [dreg:$0x5];
	(pc) =	sbr.rel @p0 .LBB2_3-.Ltmp1, $4  }
0xb5: {  	[spmem:s1] =	stream.indirect.scatter.add.f32 [tilespmem:s5], [sflag:$0x2], $0x80, s21, s30, $0xb8;
	[tilespmem:$0x1E680] =	vst v63  }
0xb6: {  	_ =	swait.ge [sflag:s18], $0x1800  }
0xb7: {  	[sflag:s18] =	ssyncset.done $0x0  }
0xb8: {  	[sflag:s18] =	ssyncadd.s32 $0xFFFFE800  }
0xb9: {  	s3 =	rddreg [dreg:$0xe]  }
0xba: {  	s1 =	smul.u32 $0x13C000, s3  }
0xbb: {  	s2 =	rddreg [dreg:$0xb];
	[bflag:$0x0] =	sbarrier.arrive $0xFFFF  }
0xbc: {  	s19 =	rddreg [dreg:$0x8];
	s1 =	sadd.s32 s1, s2  }
0xbd: {  	s4 =	rddreg [dreg:$0xa];
	s3 =	sadd.s32 $0x1, s3;
	s1 =	sshrl.u32 s1, $0x3  }
0xbe: {  	p0 =	sne.s32 s3, $0x8;
	s2 =	rddreg [dreg:$0xd];
	s1 =	sadd.s32 s19, s1  }
0xbf: {  	[hbm:s1], [sflag:s4] =	dma.local [spmem:s2], $0x2780  }
.Ltmp2:
0xc0: {  	_ =	swait.ge [sflag:s18], $0x2780;
	(pc) =	sbr.rel @p0 .LBB2_2-.Ltmp2, $3  }
0xc1: {  	[sflag:s18] =	ssyncset.done $0x0  }
0xc2: {  	[sflag:s18] =	ssyncadd.s32 $0xFFFFD880  }
0xc3: {  	[bflag:$0x0] =	sbarrier.arrive $0xFFFF;
	_ =	sdelay $0x1  }
0xc4: {  	s14 =	rddreg [dreg:$0x7]  }
0xc5: {  	s1 =	rddreg [dreg:$0xc];
	s14 =	sadd.s32 $0x1, s14  }
0xc6: {  	p0 =	sne.s32 s14, s1  }
.Ltmp3:
0xc7: {  	_ = 	snop;
	(pc) =	sbr.rel @p0 .LBB2_1-.Ltmp3, $1  }
0xc8: {  	_ =	sdelay $0x3  }
0xc9: {  	_ =	sfence.sel $0x180000  }
0xca: {  	[bflag:$0x0] =	sbarrier.arrive $0xFFFF  }
0xcb: {  	_ =	strace $0x90000047  }
0xcc: {  	s0 =	stileid.u32;
	[bflag:$0x2] =	sbarrier.arrive $0xFFFF  }
0xcd: {  	p0 =	sne.s32 s0, $0x0;
	s0 =	rddreg [dreg:$0x6]  }
0xce: {  	s0 =	sadd.s32 @!p0 $0x100000, s0  }
0xcf: {  	[sflag:s0] =	ssyncadd.tile.s32 @!p0 $0x1;
	_ =	shalt  }
.Lfunc_end2:
_tile_overlayer_lowered:
.L_overlay_start_2:
0xd0: {  	(tag) =	ssettag $0x2  }
0xd1: {  	s0 =	rddreg [dreg:$0x0];
	s2 =	stileid.u32  }
0xd2: {  	s1 =	rddreg [dreg:$0x1];
	p0 =	sne.s32 s2, $0x0  }
0xd3: {  	s3 =	rddreg [dreg:$0x2];
	[bflag:$0x3] =	sbarrier.arrive $0xFFFF;
	s2 =	simm.s32 @!p0 $0x1C02  }
0xd4: {  	[timem:s3], [sflag:s2] =	dma.local @!p0 [hbm:s0], s1  }
0xd5: {  	s0 =	simm.s32 @!p0 $0x2  }
0xd6: {  	_ =	swait.ge @!p0 [sflag:s0], s1  }
0xd7: {  	s1 =	ssub.s32 @!p0 $0x0, s1;
	[sflag:s0] =	ssyncset.done @!p0 $0x0  }
0xd8: {  	[sflag:s0] =	ssyncadd.s32 @!p0 s1  }
0xd9: {  	[bflag:$0x3] =	sbarrier.arrive $0xFFFF  }
0xda: {  	_ =	shalt  }

</sc_bundles>
